<compile_context>
chip_gen: v7x
topology: tpu7x:2x2x1
jax: 0.10.2.dev20260603
libtpu: 0.0.44.dev20260713+nightly
codegen_flags: <defaults>
</compile_context>

<pallas_src>
import functools

import jax
import jax.numpy as jnp
from jax.experimental import pallas as pl
from jax.experimental.pallas import tpu as pltpu
from jax.experimental.pallas import tpu_sc as plsc

B = 16
D = 64
T = 1024
K = 1024
BETA = 0.25
EPS = 1e-10

_NC = 2
_NS = 16
_W = _NC * _NS
_DH = D // (_W // B)
_L = 16


def _vq_step(z_ref, e_ref, esq_ref, loss_ref, perp_ref,
             onehot_ref, idx_ref, loss_acc):
    b = pl.program_id(0)
    zb = z_ref[0]
    emb = e_ref[...]
    esq = esq_ref[...]

    zf = zb.T
    mm = jax.lax.dot_general(
        zf, emb, (((1,), (1,)), ((), ())),
        preferred_element_type=jnp.float32)
    zsq = jnp.sum(zf * zf, axis=1, keepdims=True)
    dist = (zsq + esq) - 2.0 * mm

    dmin = jnp.min(dist, axis=1, keepdims=True)
    iota_k = jax.lax.broadcasted_iota(jnp.int32, (T, K), 1)
    idx = jnp.min(jnp.where(dist == dmin, iota_k, K),
                  axis=1, keepdims=True)

    onehot = (iota_k == idx).astype(jnp.float32)
    onehot_ref[0] = onehot
    idx_ref[pl.ds(b, 1), :] = idx.T

    part = jnp.sum(dmin).reshape(1, 1)

    @pl.when(b == 0)
    def _init():
        loss_acc[...] = part

    @pl.when(b > 0)
    def _accum():
        loss_acc[...] = loss_acc[...] + part

    @pl.when(b == B - 1)
    def _finalize():
        mse = loss_acc[...] * (1.0 / (B * D * T))
        loss_ref[...] = mse + BETA * mse

        all_idx = idx_ref[...]
        m = jnp.zeros((B, T), jnp.float32)
        for bb in range(B):
            m = m + (all_idx == all_idx[bb:bb + 1, :]).astype(jnp.float32)
        ent_sum = jnp.sum(jnp.log(m * (1.0 / B) + EPS))
        perp_ref[...] = jnp.exp(-(1.0 / B) * ent_sum).reshape(1, 1)


@functools.partial(
    pl.kernel,
    out_type=jax.ShapeDtypeStruct((B, D, T), jnp.float32),
    mesh=plsc.VectorSubcoreMesh(core_axis_name="c", subcore_axis_name="s"),
    compiler_params=pltpu.CompilerParams(needs_layout_passes=False),
    scratch_types=[
        pltpu.VMEM((T,), jnp.int32),
        pltpu.VMEM((_DH * K,), jnp.float32),
        pltpu.VMEM((_DH, T), jnp.float32),
    ],
)
def _zq_gather(et_hbm, idx_hbm, out_hbm, idx_v, e_v, out_v):
    c = jax.lax.axis_index("c")
    s = jax.lax.axis_index("s")
    wid = s * _NC + c
    b = wid // (_W // B)
    dh = wid % (_W // B)

    pltpu.sync_copy(et_hbm.at[pl.ds(dh * _DH * K, _DH * K)], e_v)
    pltpu.sync_copy(idx_hbm.at[b], idx_v)

    @plsc.parallel_loop(0, T, step=_L)
    def t_chunk(t0):
        rows = idx_v[pl.ds(t0, _L)]
        for d in range(_DH):
            out_v[d, pl.ds(t0, _L)] = plsc.load_gather(e_v, [rows + d * K])

    pltpu.sync_copy(out_v, out_hbm.at[b, pl.ds(dh * _DH, _DH), :])


@jax.jit
def kernel(z, embedding_weight):
    esq = jnp.sum(embedding_weight ** 2, axis=1).reshape(1, K)
    loss, perp, onehot, idx2 = pl.pallas_call(
        _vq_step,
        grid=(B,),
        in_specs=[
            pl.BlockSpec((1, D, T), lambda b: (b, 0, 0)),
            pl.BlockSpec((K, D), lambda b: (0, 0)),
            pl.BlockSpec((1, K), lambda b: (0, 0)),
        ],
        out_specs=[
            pl.BlockSpec((1, 1), lambda b: (0, 0)),
            pl.BlockSpec((1, 1), lambda b: (0, 0)),
            pl.BlockSpec((1, T, K), lambda b: (b, 0, 0)),
            pl.BlockSpec((B, T), lambda b: (0, 0)),
        ],
        out_shape=[
            jax.ShapeDtypeStruct((1, 1), jnp.float32),
            jax.ShapeDtypeStruct((1, 1), jnp.float32),
            jax.ShapeDtypeStruct((B, T, K), jnp.float32),
            jax.ShapeDtypeStruct((B, T), jnp.int32),
        ],
        scratch_shapes=[
            pltpu.VMEM((1, 1), jnp.float32),
        ],
    )(z, embedding_weight, esq)
    zq = _zq_gather(embedding_weight.T.reshape(D * K), idx2)
    return (zq, loss.reshape(()), perp.reshape(()), onehot, idx2)

# --- scband reference (transcript-rebuilt; emitter-appended) ---
"""Pipeline reference for scband-vector-quantizer-90082644067050 (READ-ONLY COPY).

The authoritative reference and input builder live on the scoring server;
editing this copy changes nothing except your own understanding.
"""

import jax, jax.numpy as jnp
import numpy as np

EMBEDDING_DIM = 64
NUM_EMBEDDINGS = 1024
BETA = 0.25


def setup_inputs(seed: int = 0) -> dict:
    key = jax.random.key(seed)
    k1, k2 = jax.random.split(key)
    z = jax.random.normal(k1, (16, 64, 1024), dtype=jnp.float32)
    embedding_weight = jax.random.uniform(
        k2, (NUM_EMBEDDINGS, EMBEDDING_DIM), dtype=jnp.float32,
        minval=-1.0 / NUM_EMBEDDINGS, maxval=1.0 / NUM_EMBEDDINGS)
    return {"z": z, "embedding_weight": embedding_weight}


def reference(z, embedding_weight):
    # z: [b, d, t]; embedding_weight: [K, d]
    z_flattened = jnp.transpose(z, (0, 2, 1))  # b t d
    d = (jnp.sum(z_flattened ** 2, axis=2, keepdims=True)
         + jnp.sum(embedding_weight ** 2, axis=1)
         - 2.0 * (z_flattened @ embedding_weight.T))  # b t K
    min_encoding_indices = jnp.argmin(d, axis=2)  # b t
    min_encodings = jax.nn.one_hot(min_encoding_indices, NUM_EMBEDDINGS, dtype=jnp.float32)  # b t K
    z_q = jnp.take(embedding_weight, min_encoding_indices, axis=0)  # b t d (gather)
    z_q = jnp.transpose(z_q, (0, 2, 1))  # b d t
    codebook_loss = jnp.mean((z - jax.lax.stop_gradient(z_q)) ** 2)
    commitment_loss = jnp.mean((jax.lax.stop_gradient(z) - z_q) ** 2)
    vq_loss = codebook_loss + BETA * commitment_loss
    avg_probs = jnp.mean(min_encodings, axis=0)  # t K (mean over batch dim only, as in torch ref)
    perplexity = jnp.exp(-jnp.sum(avg_probs * jnp.log(avg_probs + 1e-10)))
    return (z_q, vq_loss, perplexity, min_encodings, min_encoding_indices)

if __name__ == "__main__":
    import jax
    _d = setup_inputs()
    print(jax.jit(kernel)(*tuple(_d.values())))

</pallas_src>

<mosaic_0001>
#map = affine_map<(d0, d1) -> (0)>
#map1 = affine_map<(d0, d1) -> (0, 0)>
#map2 = affine_map<(d0, d1) -> (0, 0, 0)>
module attributes {stable_mosaic.version = 14 : i64} {
  func.func @_zq_gather(%arg0: i32, %arg1: i32, %arg2: memref<65536xf32, #tpu.memory_space<hbm>>, %arg3: memref<16x1024xi32, #tpu.memory_space<hbm>>, %arg4: memref<16x64x1024xf32, #tpu.memory_space<hbm>>, %arg5: memref<1024xi32, #tpu.memory_space<vmem>>, %arg6: memref<32768xf32, #tpu.memory_space<vmem>>, %arg7: memref<32x1024xf32, #tpu.memory_space<vmem>>) attributes {dimension_semantics = [#tpu.dimension_semantics<core_parallel>, #tpu.dimension_semantics<subcore_parallel>], iteration_bounds = array<i64: 2, 16>, scalar_prefetch = 0 : i64, scratch_operands = 3 : i64, tpu.core_type = #tpu.core_type<sc_vector_subcore>, window_params = [{transform_indices = #map}, {transform_indices = #map1}, {transform_indices = #map2}]} {
    %mul3A = arith.constant 2 : i32
    %mul3A_0 = arith.muli %arg1, %mul3A : i32
    %add3A = arith.addi %mul3A_0, %arg0 : i32
    %jit3A = arith.constant 2 : i32
    %div3A = arith.divsi %add3A, %jit3A : i32
    %sign3A = arith.constant 0 : i32
    %sign3A_1 = arith.cmpi sgt, %add3A, %sign3A : i32
    %sign3A_2 = arith.extui %sign3A_1 : i1 to i32
    %sign3A_3 = arith.constant 0 : i32
    %sign3A_4 = arith.cmpi slt, %add3A, %sign3A_3 : i32
    %sign3A_5 = arith.extui %sign3A_4 : i1 to i32
    %sign3A_6 = arith.subi %sign3A_2, %sign3A_5 : i32
    %sign3A_7 = arith.constant 0 : i32
    %sign3A_8 = arith.cmpi sgt, %jit3A, %sign3A_7 : i32
    %sign3A_9 = arith.extui %sign3A_8 : i1 to i32
    %sign3A_10 = arith.constant 0 : i32
    %sign3A_11 = arith.cmpi slt, %jit3A, %sign3A_10 : i32
    %sign3A_12 = arith.extui %sign3A_11 : i1 to i32
    %sign3A_13 = arith.subi %sign3A_9, %sign3A_12 : i32
    %ne3A = arith.cmpi ne, %sign3A_6, %sign3A_13 : i32
    %rem3A = arith.remsi %add3A, %jit3A : i32
    %ne3A_14 = arith.constant 0 : i32
    %ne3A_15 = arith.cmpi ne, %rem3A, %ne3A_14 : i32
    %and3A = arith.andi %ne3A, %ne3A_15 : i1
    %sub3A = arith.constant 1 : i32
    %sub3A_16 = arith.subi %div3A, %sub3A : i32
    %select_n3A = arith.select %and3A, %sub3A_16, %div3A : i32
    %jit3A_17 = arith.constant 2 : i32
    %eq3A = arith.constant 0 : i32
    %eq3A_18 = arith.cmpi eq, %jit3A_17, %eq3A : i32
    %jit3A_19 = arith.constant 1 : i32
    %select_n3A_20 = arith.select %eq3A_18, %jit3A_19, %jit3A_17 : i32
    %rem3A_21 = arith.remsi %add3A, %select_n3A_20 : i32
    %ne3A_22 = arith.constant 0 : i32
    %ne3A_23 = arith.cmpi ne, %rem3A_21, %ne3A_22 : i32
    %lt3A = arith.constant 0 : i32
    %lt3A_24 = arith.cmpi slt, %rem3A_21, %lt3A : i32
    %lt3A_25 = arith.constant 0 : i32
    %lt3A_26 = arith.cmpi slt, %select_n3A_20, %lt3A_25 : i32
    %ne3A_27 = arith.xori %lt3A_24, %lt3A_26 : i1
    %and3A_28 = arith.andi %ne3A_27, %ne3A_23 : i1
    %add3A_29 = arith.addi %rem3A_21, %select_n3A_20 : i32
    %select_n3A_30 = arith.select %and3A_28, %add3A_29, %rem3A_21 : i32
    %mul3A_31 = arith.constant 32 : i32
    %mul3A_32 = arith.muli %select_n3A_30, %mul3A_31 : i32
    %mul3A_33 = arith.constant 1024 : i32
    %mul3A_34 = arith.muli %mul3A_32, %mul3A_33 : i32
    "tpu.region"() ({
      %run_scoped3A = tpu.sem_alloc : memref<!tpu.dma_semaphore, #tpu.memory_space<semaphore_mem>>
      %dma_start3A = tpu.memref_slice %arg2[%mul3A_34] : memref<65536xf32, #tpu.memory_space<hbm>> -> memref<32768xf32, #tpu.memory_space<hbm>>
      %dma_start3A_39 = tpu.memref_slice %arg2[%mul3A_34] : memref<65536xf32, #tpu.memory_space<hbm>> -> memref<32768xf32, #tpu.memory_space<hbm>>
      tpu.enqueue_dma source(%dma_start3A_39 : memref<32768xf32, #tpu.memory_space<hbm>>) target(%arg6 : memref<32768xf32, #tpu.memory_space<vmem>>) target_semaphore(%run_scoped3A : memref<!tpu.dma_semaphore, #tpu.memory_space<semaphore_mem>>)
      %dma_wait3A = tpu.memref_slice %arg2[%mul3A_34] : memref<65536xf32, #tpu.memory_space<hbm>> -> memref<32768xf32, #tpu.memory_space<hbm>>
      %dma_wait3A_40 = tpu.memref_slice %arg2[%mul3A_34] : memref<65536xf32, #tpu.memory_space<hbm>> -> memref<32768xf32, #tpu.memory_space<hbm>>
      tpu.wait_dma2 semaphore(%run_scoped3A : memref<!tpu.dma_semaphore, #tpu.memory_space<semaphore_mem>>) src(%dma_wait3A_40 : memref<32768xf32, #tpu.memory_space<hbm>>) dst(%arg6 : memref<32768xf32, #tpu.memory_space<vmem>>)
      tpu.yield
    }) : () -> ()
    "tpu.region"() ({
      %run_scoped3A = tpu.sem_alloc : memref<!tpu.dma_semaphore, #tpu.memory_space<semaphore_mem>>
      %dma_start3A = arith.constant 0 : i32
      %dma_start3A_39 = tpu.memref_slice %arg3[%select_n3A, %dma_start3A] : memref<16x1024xi32, #tpu.memory_space<hbm>> -> memref<1x1024xi32, #tpu.memory_space<hbm>>
      %dma_start3A_40 = tpu.memref_squeeze %dma_start3A_39 : memref<1x1024xi32, #tpu.memory_space<hbm>> -> memref<1024xi32, #tpu.memory_space<hbm>>
      %dma_start3A_41 = arith.constant 0 : i32
      %dma_start3A_42 = tpu.memref_slice %arg3[%select_n3A, %dma_start3A_41] : memref<16x1024xi32, #tpu.memory_space<hbm>> -> memref<1x1024xi32, #tpu.memory_space<hbm>>
      %dma_start3A_43 = tpu.memref_squeeze %dma_start3A_42 : memref<1x1024xi32, #tpu.memory_space<hbm>> -> memref<1024xi32, #tpu.memory_space<hbm>>
      tpu.enqueue_dma source(%dma_start3A_43 : memref<1024xi32, #tpu.memory_space<hbm>>) target(%arg5 : memref<1024xi32, #tpu.memory_space<vmem>>) target_semaphore(%run_scoped3A : memref<!tpu.dma_semaphore, #tpu.memory_space<semaphore_mem>>)
      %dma_wait3A = arith.constant 0 : i32
      %dma_wait3A_44 = tpu.memref_slice %arg3[%select_n3A, %dma_wait3A] : memref<16x1024xi32, #tpu.memory_space<hbm>> -> memref<1x1024xi32, #tpu.memory_space<hbm>>
      %dma_wait3A_45 = tpu.memref_squeeze %dma_wait3A_44 : memref<1x1024xi32, #tpu.memory_space<hbm>> -> memref<1024xi32, #tpu.memory_space<hbm>>
      %dma_wait3A_46 = arith.constant 0 : i32
      %dma_wait3A_47 = tpu.memref_slice %arg3[%select_n3A, %dma_wait3A_46] : memref<16x1024xi32, #tpu.memory_space<hbm>> -> memref<1x1024xi32, #tpu.memory_space<hbm>>
      %dma_wait3A_48 = tpu.memref_squeeze %dma_wait3A_47 : memref<1x1024xi32, #tpu.memory_space<hbm>> -> memref<1024xi32, #tpu.memory_space<hbm>>
      tpu.wait_dma2 semaphore(%run_scoped3A : memref<!tpu.dma_semaphore, #tpu.memory_space<semaphore_mem>>) src(%dma_wait3A_48 : memref<1024xi32, #tpu.memory_space<hbm>>) dst(%arg5 : memref<1024xi32, #tpu.memory_space<vmem>>)
      tpu.yield
    }) : () -> ()
    %parallel_loop3A = arith.constant 0 : i32
    %parallel_loop3A_35 = arith.constant 1024 : i32
    %parallel_loop3A_36 = arith.constant 16 : i32
    scf.for %parallel_loop3A_39 = %parallel_loop3A to %parallel_loop3A_35 step %parallel_loop3A_36  : i32 {
      %parallel_loop3A_40 = arith.index_cast %parallel_loop3A_39 : i32 to index
      %parallel_loop3A_41 = tpu.vector_load %arg5[%parallel_loop3A_40] {strides = array<i32>} : memref<1024xi32, #tpu.memory_space<vmem>>, vector<16xi32>,
      %parallel_loop3A_42 = arith.constant 0 : i32
      %parallel_loop3A_43 = vector.broadcast %parallel_loop3A_42 : i32 to vector<16xi32>
      %parallel_loop3A_44 = arith.addi %parallel_loop3A_41, %parallel_loop3A_43 : vector<16xi32>
      %parallel_loop3A_45 = tpu.vector_load_idx %arg6[%parallel_loop3A_44] : memref<32768xf32, #tpu.memory_space<vmem>>[vector<16xi32>], vector<16xf32>,
      %parallel_loop3A_46 = arith.constant 0 : i32
      %parallel_loop3A_47 = arith.index_cast %parallel_loop3A_46 : i32 to index
      %parallel_loop3A_48 = arith.index_cast %parallel_loop3A_39 : i32 to index
      %parallel_loop3A_49 = tpu.vector_load %arg7[%parallel_loop3A_47, %parallel_loop3A_48] {strides = array<i32>} : memref<32x1024xf32, #tpu.memory_space<vmem>>, vector<16xf32>,
      tpu.vector_store %arg7[%parallel_loop3A_47, %parallel_loop3A_48], %parallel_loop3A_45 {strides = array<i32>} : memref<32x1024xf32, #tpu.memory_space<vmem>>, vector<16xf32>,
      %parallel_loop3A_50 = arith.constant 1024 : i32
      %parallel_loop3A_51 = vector.broadcast %parallel_loop3A_50 : i32 to vector<16xi32>
      %parallel_loop3A_52 = arith.addi %parallel_loop3A_41, %parallel_loop3A_51 : vector<16xi32>
      %parallel_loop3A_53 = tpu.vector_load_idx %arg6[%parallel_loop3A_52] : memref<32768xf32, #tpu.memory_space<vmem>>[vector<16xi32>], vector<16xf32>,
      %parallel_loop3A_54 = arith.constant 1 : i32
      %parallel_loop3A_55 = arith.index_cast %parallel_loop3A_54 : i32 to index
      %parallel_loop3A_56 = arith.index_cast %parallel_loop3A_39 : i32 to index
      %parallel_loop3A_57 = tpu.vector_load %arg7[%parallel_loop3A_55, %parallel_loop3A_56] {strides = array<i32>} : memref<32x1024xf32, #tpu.memory_space<vmem>>, vector<16xf32>,
      tpu.vector_store %arg7[%parallel_loop3A_55, %parallel_loop3A_56], %parallel_loop3A_53 {strides = array<i32>} : memref<32x1024xf32, #tpu.memory_space<vmem>>, vector<16xf32>,
      %parallel_loop3A_58 = arith.constant 2048 : i32
      %parallel_loop3A_59 = vector.broadcast %parallel_loop3A_58 : i32 to vector<16xi32>
      %parallel_loop3A_60 = arith.addi %parallel_loop3A_41, %parallel_loop3A_59 : vector<16xi32>
      %parallel_loop3A_61 = tpu.vector_load_idx %arg6[%parallel_loop3A_60] : memref<32768xf32, #tpu.memory_space<vmem>>[vector<16xi32>], vector<16xf32>,
      %parallel_loop3A_62 = arith.constant 2 : i32
      %parallel_loop3A_63 = arith.index_cast %parallel_loop3A_62 : i32 to index
      %parallel_loop3A_64 = arith.index_cast %parallel_loop3A_39 : i32 to index
      %parallel_loop3A_65 = tpu.vector_load %arg7[%parallel_loop3A_63, %parallel_loop3A_64] {strides = array<i32>} : memref<32x1024xf32, #tpu.memory_space<vmem>>, vector<16xf32>,
      tpu.vector_store %arg7[%parallel_loop3A_63, %parallel_loop3A_64], %parallel_loop3A_61 {strides = array<i32>} : memref<32x1024xf32, #tpu.memory_space<vmem>>, vector<16xf32>,
      %parallel_loop3A_66 = arith.constant 3072 : i32
      %parallel_loop3A_67 = vector.broadcast %parallel_loop3A_66 : i32 to vector<16xi32>
      %parallel_loop3A_68 = arith.addi %parallel_loop3A_41, %parallel_loop3A_67 : vector<16xi32>
      %parallel_loop3A_69 = tpu.vector_load_idx %arg6[%parallel_loop3A_68] : memref<32768xf32, #tpu.memory_space<vmem>>[vector<16xi32>], vector<16xf32>,
      %parallel_loop3A_70 = arith.constant 3 : i32
      %parallel_loop3A_71 = arith.index_cast %parallel_loop3A_70 : i32 to index
      %parallel_loop3A_72 = arith.index_cast %parallel_loop3A_39 : i32 to index
      %parallel_loop3A_73 = tpu.vector_load %arg7[%parallel_loop3A_71, %parallel_loop3A_72] {strides = array<i32>} : memref<32x1024xf32, #tpu.memory_space<vmem>>, vector<16xf32>,
      tpu.vector_store %arg7[%parallel_loop3A_71, %parallel_loop3A_72], %parallel_loop3A_69 {strides = array<i32>} : memref<32x1024xf32, #tpu.memory_space<vmem>>, vector<16xf32>,
      %parallel_loop3A_74 = arith.constant 4096 : i32
      %parallel_loop3A_75 = vector.broadcast %parallel_loop3A_74 : i32 to vector<16xi32>
      %parallel_loop3A_76 = arith.addi %parallel_loop3A_41, %parallel_loop3A_75 : vector<16xi32>
      %parallel_loop3A_77 = tpu.vector_load_idx %arg6[%parallel_loop3A_76] : memref<32768xf32, #tpu.memory_space<vmem>>[vector<16xi32>], vector<16xf32>,
      %parallel_loop3A_78 = arith.constant 4 : i32
      %parallel_loop3A_79 = arith.index_cast %parallel_loop3A_78 : i32 to index
      %parallel_loop3A_80 = arith.index_cast %parallel_loop3A_39 : i32 to index
      %parallel_loop3A_81 = tpu.vector_load %arg7[%parallel_loop3A_79, %parallel_loop3A_80] {strides = array<i32>} : memref<32x1024xf32, #tpu.memory_space<vmem>>, vector<16xf32>,
      tpu.vector_store %arg7[%parallel_loop3A_79, %parallel_loop3A_80], %parallel_loop3A_77 {strides = array<i32>} : memref<32x1024xf32, #tpu.memory_space<vmem>>, vector<16xf32>,
      %parallel_loop3A_82 = arith.constant 5120 : i32
      %parallel_loop3A_83 = vector.broadcast %parallel_loop3A_82 : i32 to vector<16xi32>
      %parallel_loop3A_84 = arith.addi %parallel_loop3A_41, %parallel_loop3A_83 : vector<16xi32>
      %parallel_loop3A_85 = tpu.vector_load_idx %arg6[%parallel_loop3A_84] : memref<32768xf32, #tpu.memory_space<vmem>>[vector<16xi32>], vector<16xf32>,
      %parallel_loop3A_86 = arith.constant 5 : i32
      %parallel_loop3A_87 = arith.index_cast %parallel_loop3A_86 : i32 to index
      %parallel_loop3A_88 = arith.index_cast %parallel_loop3A_39 : i32 to index
      %parallel_loop3A_89 = tpu.vector_load %arg7[%parallel_loop3A_87, %parallel_loop3A_88] {strides = array<i32>} : memref<32x1024xf32, #tpu.memory_space<vmem>>, vector<16xf32>,
      tpu.vector_store %arg7[%parallel_loop3A_87, %parallel_loop3A_88], %parallel_loop3A_85 {strides = array<i32>} : memref<32x1024xf32, #tpu.memory_space<vmem>>, vector<16xf32>,
      %parallel_loop3A_90 = arith.constant 6144 : i32
      %parallel_loop3A_91 = vector.broadcast %parallel_loop3A_90 : i32 to vector<16xi32>
      %parallel_loop3A_92 = arith.addi %parallel_loop3A_41, %parallel_loop3A_91 : vector<16xi32>
      %parallel_loop3A_93 = tpu.vector_load_idx %arg6[%parallel_loop3A_92] : memref<32768xf32, #tpu.memory_space<vmem>>[vector<16xi32>], vector<16xf32>,
      %parallel_loop3A_94 = arith.constant 6 : i32
      %parallel_loop3A_95 = arith.index_cast %parallel_loop3A_94 : i32 to index
      %parallel_loop3A_96 = arith.index_cast %parallel_loop3A_39 : i32 to index
      %parallel_loop3A_97 = tpu.vector_load %arg7[%parallel_loop3A_95, %parallel_loop3A_96] {strides = array<i32>} : memref<32x1024xf32, #tpu.memory_space<vmem>>, vector<16xf32>,
      tpu.vector_store %arg7[%parallel_loop3A_95, %parallel_loop3A_96], %parallel_loop3A_93 {strides = array<i32>} : memref<32x1024xf32, #tpu.memory_space<vmem>>, vector<16xf32>,
      %parallel_loop3A_98 = arith.constant 7168 : i32
      %parallel_loop3A_99 = vector.broadcast %parallel_loop3A_98 : i32 to vector<16xi32>
      %parallel_loop3A_100 = arith.addi %parallel_loop3A_41, %parallel_loop3A_99 : vector<16xi32>
      %parallel_loop3A_101 = tpu.vector_load_idx %arg6[%parallel_loop3A_100] : memref<32768xf32, #tpu.memory_space<vmem>>[vector<16xi32>], vector<16xf32>,
      %parallel_loop3A_102 = arith.constant 7 : i32
      %parallel_loop3A_103 = arith.index_cast %parallel_loop3A_102 : i32 to index
      %parallel_loop3A_104 = arith.index_cast %parallel_loop3A_39 : i32 to index
      %parallel_loop3A_105 = tpu.vector_load %arg7[%parallel_loop3A_103, %parallel_loop3A_104] {strides = array<i32>} : memref<32x1024xf32, #tpu.memory_space<vmem>>, vector<16xf32>,
      tpu.vector_store %arg7[%parallel_loop3A_103, %parallel_loop3A_104], %parallel_loop3A_101 {strides = array<i32>} : memref<32x1024xf32, #tpu.memory_space<vmem>>, vector<16xf32>,
      %parallel_loop3A_106 = arith.constant 8192 : i32
      %parallel_loop3A_107 = vector.broadcast %parallel_loop3A_106 : i32 to vector<16xi32>
      %parallel_loop3A_108 = arith.addi %parallel_loop3A_41, %parallel_loop3A_107 : vector<16xi32>
      %parallel_loop3A_109 = tpu.vector_load_idx %arg6[%parallel_loop3A_108] : memref<32768xf32, #tpu.memory_space<vmem>>[vector<16xi32>], vector<16xf32>,
      %parallel_loop3A_110 = arith.constant 8 : i32
      %parallel_loop3A_111 = arith.index_cast %parallel_loop3A_110 : i32 to index
      %parallel_loop3A_112 = arith.index_cast %parallel_loop3A_39 : i32 to index
      %parallel_loop3A_113 = tpu.vector_load %arg7[%parallel_loop3A_111, %parallel_loop3A_112] {strides = array<i32>} : memref<32x1024xf32, #tpu.memory_space<vmem>>, vector<16xf32>,
      tpu.vector_store %arg7[%parallel_loop3A_111, %parallel_loop3A_112], %parallel_loop3A_109 {strides = array<i32>} : memref<32x1024xf32, #tpu.memory_space<vmem>>, vector<16xf32>,
      %parallel_loop3A_114 = arith.constant 9216 : i32
      %parallel_loop3A_115 = vector.broadcast %parallel_loop3A_114 : i32 to vector<16xi32>
      %parallel_loop3A_116 = arith.addi %parallel_loop3A_41, %parallel_loop3A_115 : vector<16xi32>
      %parallel_loop3A_117 = tpu.vector_load_idx %arg6[%parallel_loop3A_116] : memref<32768xf32, #tpu.memory_space<vmem>>[vector<16xi32>], vector<16xf32>,
      %parallel_loop3A_118 = arith.constant 9 : i32
      %parallel_loop3A_119 = arith.index_cast %parallel_loop3A_118 : i32 to index
      %parallel_loop3A_120 = arith.index_cast %parallel_loop3A_39 : i32 to index
      %parallel_loop3A_121 = tpu.vector_load %arg7[%parallel_loop3A_119, %parallel_loop3A_120] {strides = array<i32>} : memref<32x1024xf32, #tpu.memory_space<vmem>>, vector<16xf32>,
      tpu.vector_store %arg7[%parallel_loop3A_119, %parallel_loop3A_120], %parallel_loop3A_117 {strides = array<i32>} : memref<32x1024xf32, #tpu.memory_space<vmem>>, vector<16xf32>,
      %parallel_loop3A_122 = arith.constant 10240 : i32
      %parallel_loop3A_123 = vector.broadcast %parallel_loop3A_122 : i32 to vector<16xi32>
      %parallel_loop3A_124 = arith.addi %parallel_loop3A_41, %parallel_loop3A_123 : vector<16xi32>
      %parallel_loop3A_125 = tpu.vector_load_idx %arg6[%parallel_loop3A_124] : memref<32768xf32, #tpu.memory_space<vmem>>[vector<16xi32>], vector<16xf32>,
      %parallel_loop3A_126 = arith.constant 10 : i32
      %parallel_loop3A_127 = arith.index_cast %parallel_loop3A_126 : i32 to index
      %parallel_loop3A_128 = arith.index_cast %parallel_loop3A_39 : i32 to index
      %parallel_loop3A_129 = tpu.vector_load %arg7[%parallel_loop3A_127, %parallel_loop3A_128] {strides = array<i32>} : memref<32x1024xf32, #tpu.memory_space<vmem>>, vector<16xf32>,
      tpu.vector_store %arg7[%parallel_loop3A_127, %parallel_loop3A_128], %parallel_loop3A_125 {strides = array<i32>} : memref<32x1024xf32, #tpu.memory_space<vmem>>, vector<16xf32>,
      %parallel_loop3A_130 = arith.constant 11264 : i32
      %parallel_loop3A_131 = vector.broadcast %parallel_loop3A_130 : i32 to vector<16xi32>
      %parallel_loop3A_132 = arith.addi %parallel_loop3A_41, %parallel_loop3A_131 : vector<16xi32>
      %parallel_loop3A_133 = tpu.vector_load_idx %arg6[%parallel_loop3A_132] : memref<32768xf32, #tpu.memory_space<vmem>>[vector<16xi32>], vector<16xf32>,
      %parallel_loop3A_134 = arith.constant 11 : i32
      %parallel_loop3A_135 = arith.index_cast %parallel_loop3A_134 : i32 to index
      %parallel_loop3A_136 = arith.index_cast %parallel_loop3A_39 : i32 to index
      %parallel_loop3A_137 = tpu.vector_load %arg7[%parallel_loop3A_135, %parallel_loop3A_136] {strides = array<i32>} : memref<32x1024xf32, #tpu.memory_space<vmem>>, vector<16xf32>,
      tpu.vector_store %arg7[%parallel_loop3A_135, %parallel_loop3A_136], %parallel_loop3A_133 {strides = array<i32>} : memref<32x1024xf32, #tpu.memory_space<vmem>>, vector<16xf32>,
      %parallel_loop3A_138 = arith.constant 12288 : i32
      %parallel_loop3A_139 = vector.broadcast %parallel_loop3A_138 : i32 to vector<16xi32>
      %parallel_loop3A_140 = arith.addi %parallel_loop3A_41, %parallel_loop3A_139 : vector<16xi32>
      %parallel_loop3A_141 = tpu.vector_load_idx %arg6[%parallel_loop3A_140] : memref<32768xf32, #tpu.memory_space<vmem>>[vector<16xi32>], vector<16xf32>,
      %parallel_loop3A_142 = arith.constant 12 : i32
      %parallel_loop3A_143 = arith.index_cast %parallel_loop3A_142 : i32 to index
      %parallel_loop3A_144 = arith.index_cast %parallel_loop3A_39 : i32 to index
      %parallel_loop3A_145 = tpu.vector_load %arg7[%parallel_loop3A_143, %parallel_loop3A_144] {strides = array<i32>} : memref<32x1024xf32, #tpu.memory_space<vmem>>, vector<16xf32>,
      tpu.vector_store %arg7[%parallel_loop3A_143, %parallel_loop3A_144], %parallel_loop3A_141 {strides = array<i32>} : memref<32x1024xf32, #tpu.memory_space<vmem>>, vector<16xf32>,
      %parallel_loop3A_146 = arith.constant 13312 : i32
      %parallel_loop3A_147 = vector.broadcast %parallel_loop3A_146 : i32 to vector<16xi32>
      %parallel_loop3A_148 = arith.addi %parallel_loop3A_41, %parallel_loop3A_147 : vector<16xi32>
      %parallel_loop3A_149 = tpu.vector_load_idx %arg6[%parallel_loop3A_148] : memref<32768xf32, #tpu.memory_space<vmem>>[vector<16xi32>], vector<16xf32>,
      %parallel_loop3A_150 = arith.constant 13 : i32
      %parallel_loop3A_151 = arith.index_cast %parallel_loop3A_150 : i32 to index
      %parallel_loop3A_152 = arith.index_cast %parallel_loop3A_39 : i32 to index
      %parallel_loop3A_153 = tpu.vector_load %arg7[%parallel_loop3A_151, %parallel_loop3A_152] {strides = array<i32>} : memref<32x1024xf32, #tpu.memory_space<vmem>>, vector<16xf32>,
      tpu.vector_store %arg7[%parallel_loop3A_151, %parallel_loop3A_152], %parallel_loop3A_149 {strides = array<i32>} : memref<32x1024xf32, #tpu.memory_space<vmem>>, vector<16xf32>,
      %parallel_loop3A_154 = arith.constant 14336 : i32
      %parallel_loop3A_155 = vector.broadcast %parallel_loop3A_154 : i32 to vector<16xi32>
      %parallel_loop3A_156 = arith.addi %parallel_loop3A_41, %parallel_loop3A_155 : vector<16xi32>
      %parallel_loop3A_157 = tpu.vector_load_idx %arg6[%parallel_loop3A_156] : memref<32768xf32, #tpu.memory_space<vmem>>[vector<16xi32>], vector<16xf32>,
      %parallel_loop3A_158 = arith.constant 14 : i32
      %parallel_loop3A_159 = arith.index_cast %parallel_loop3A_158 : i32 to index
      %parallel_loop3A_160 = arith.index_cast %parallel_loop3A_39 : i32 to index
      %parallel_loop3A_161 = tpu.vector_load %arg7[%parallel_loop3A_159, %parallel_loop3A_160] {strides = array<i32>} : memref<32x1024xf32, #tpu.memory_space<vmem>>, vector<16xf32>,
      tpu.vector_store %arg7[%parallel_loop3A_159, %parallel_loop3A_160], %parallel_loop3A_157 {strides = array<i32>} : memref<32x1024xf32, #tpu.memory_space<vmem>>, vector<16xf32>,
      %parallel_loop3A_162 = arith.constant 15360 : i32
      %parallel_loop3A_163 = vector.broadcast %parallel_loop3A_162 : i32 to vector<16xi32>
      %parallel_loop3A_164 = arith.addi %parallel_loop3A_41, %parallel_loop3A_163 : vector<16xi32>
      %parallel_loop3A_165 = tpu.vector_load_idx %arg6[%parallel_loop3A_164] : memref<32768xf32, #tpu.memory_space<vmem>>[vector<16xi32>], vector<16xf32>,
      %parallel_loop3A_166 = arith.constant 15 : i32
      %parallel_loop3A_167 = arith.index_cast %parallel_loop3A_166 : i32 to index
      %parallel_loop3A_168 = arith.index_cast %parallel_loop3A_39 : i32 to index
      %parallel_loop3A_169 = tpu.vector_load %arg7[%parallel_loop3A_167, %parallel_loop3A_168] {strides = array<i32>} : memref<32x1024xf32, #tpu.memory_space<vmem>>, vector<16xf32>,
      tpu.vector_store %arg7[%parallel_loop3A_167, %parallel_loop3A_168], %parallel_loop3A_165 {strides = array<i32>} : memref<32x1024xf32, #tpu.memory_space<vmem>>, vector<16xf32>,
      %parallel_loop3A_170 = arith.constant 16384 : i32
      %parallel_loop3A_171 = vector.broadcast %parallel_loop3A_170 : i32 to vector<16xi32>
      %parallel_loop3A_172 = arith.addi %parallel_loop3A_41, %parallel_loop3A_171 : vector<16xi32>
      %parallel_loop3A_173 = tpu.vector_load_idx %arg6[%parallel_loop3A_172] : memref<32768xf32, #tpu.memory_space<vmem>>[vector<16xi32>], vector<16xf32>,
      %parallel_loop3A_174 = arith.constant 16 : i32
      %parallel_loop3A_175 = arith.index_cast %parallel_loop3A_174 : i32 to index
      %parallel_loop3A_176 = arith.index_cast %parallel_loop3A_39 : i32 to index
      %parallel_loop3A_177 = tpu.vector_load %arg7[%parallel_loop3A_175, %parallel_loop3A_176] {strides = array<i32>} : memref<32x1024xf32, #tpu.memory_space<vmem>>, vector<16xf32>,
      tpu.vector_store %arg7[%parallel_loop3A_175, %parallel_loop3A_176], %parallel_loop3A_173 {strides = array<i32>} : memref<32x1024xf32, #tpu.memory_space<vmem>>, vector<16xf32>,
      %parallel_loop3A_178 = arith.constant 17408 : i32
      %parallel_loop3A_179 = vector.broadcast %parallel_loop3A_178 : i32 to vector<16xi32>
      %parallel_loop3A_180 = arith.addi %parallel_loop3A_41, %parallel_loop3A_179 : vector<16xi32>
      %parallel_loop3A_181 = tpu.vector_load_idx %arg6[%parallel_loop3A_180] : memref<32768xf32, #tpu.memory_space<vmem>>[vector<16xi32>], vector<16xf32>,
      %parallel_loop3A_182 = arith.constant 17 : i32
      %parallel_loop3A_183 = arith.index_cast %parallel_loop3A_182 : i32 to index
      %parallel_loop3A_184 = arith.index_cast %parallel_loop3A_39 : i32 to index
      %parallel_loop3A_185 = tpu.vector_load %arg7[%parallel_loop3A_183, %parallel_loop3A_184] {strides = array<i32>} : memref<32x1024xf32, #tpu.memory_space<vmem>>, vector<16xf32>,
      tpu.vector_store %arg7[%parallel_loop3A_183, %parallel_loop3A_184], %parallel_loop3A_181 {strides = array<i32>} : memref<32x1024xf32, #tpu.memory_space<vmem>>, vector<16xf32>,
      %parallel_loop3A_186 = arith.constant 18432 : i32
      %parallel_loop3A_187 = vector.broadcast %parallel_loop3A_186 : i32 to vector<16xi32>
      %parallel_loop3A_188 = arith.addi %parallel_loop3A_41, %parallel_loop3A_187 : vector<16xi32>
      %parallel_loop3A_189 = tpu.vector_load_idx %arg6[%parallel_loop3A_188] : memref<32768xf32, #tpu.memory_space<vmem>>[vector<16xi32>], vector<16xf32>,
      %parallel_loop3A_190 = arith.constant 18 : i32
      %parallel_loop3A_191 = arith.index_cast %parallel_loop3A_190 : i32 to index
      %parallel_loop3A_192 = arith.index_cast %parallel_loop3A_39 : i32 to index
      %parallel_loop3A_193 = tpu.vector_load %arg7[%parallel_loop3A_191, %parallel_loop3A_192] {strides = array<i32>} : memref<32x1024xf32, #tpu.memory_space<vmem>>, vector<16xf32>,
      tpu.vector_store %arg7[%parallel_loop3A_191, %parallel_loop3A_192], %parallel_loop3A_189 {strides = array<i32>} : memref<32x1024xf32, #tpu.memory_space<vmem>>, vector<16xf32>,
      %parallel_loop3A_194 = arith.constant 19456 : i32
      %parallel_loop3A_195 = vector.broadcast %parallel_loop3A_194 : i32 to vector<16xi32>
      %parallel_loop3A_196 = arith.addi %parallel_loop3A_41, %parallel_loop3A_195 : vector<16xi32>
      %parallel_loop3A_197 = tpu.vector_load_idx %arg6[%parallel_loop3A_196] : memref<32768xf32, #tpu.memory_space<vmem>>[vector<16xi32>], vector<16xf32>,
      %parallel_loop3A_198 = arith.constant 19 : i32
      %parallel_loop3A_199 = arith.index_cast %parallel_loop3A_198 : i32 to index
      %parallel_loop3A_200 = arith.index_cast %parallel_loop3A_39 : i32 to index
      %parallel_loop3A_201 = tpu.vector_load %arg7[%parallel_loop3A_199, %parallel_loop3A_200] {strides = array<i32>} : memref<32x1024xf32, #tpu.memory_space<vmem>>, vector<16xf32>,
      tpu.vector_store %arg7[%parallel_loop3A_199, %parallel_loop3A_200], %parallel_loop3A_197 {strides = array<i32>} : memref<32x1024xf32, #tpu.memory_space<vmem>>, vector<16xf32>,
      %parallel_loop3A_202 = arith.constant 20480 : i32
      %parallel_loop3A_203 = vector.broadcast %parallel_loop3A_202 : i32 to vector<16xi32>
      %parallel_loop3A_204 = arith.addi %parallel_loop3A_41, %parallel_loop3A_203 : vector<16xi32>
      %parallel_loop3A_205 = tpu.vector_load_idx %arg6[%parallel_loop3A_204] : memref<32768xf32, #tpu.memory_space<vmem>>[vector<16xi32>], vector<16xf32>,
      %parallel_loop3A_206 = arith.constant 20 : i32
      %parallel_loop3A_207 = arith.index_cast %parallel_loop3A_206 : i32 to index
      %parallel_loop3A_208 = arith.index_cast %parallel_loop3A_39 : i32 to index
      %parallel_loop3A_209 = tpu.vector_load %arg7[%parallel_loop3A_207, %parallel_loop3A_208] {strides = array<i32>} : memref<32x1024xf32, #tpu.memory_space<vmem>>, vector<16xf32>,
      tpu.vector_store %arg7[%parallel_loop3A_207, %parallel_loop3A_208], %parallel_loop3A_205 {strides = array<i32>} : memref<32x1024xf32, #tpu.memory_space<vmem>>, vector<16xf32>,
      %parallel_loop3A_210 = arith.constant 21504 : i32
      %parallel_loop3A_211 = vector.broadcast %parallel_loop3A_210 : i32 to vector<16xi32>
      %parallel_loop3A_212 = arith.addi %parallel_loop3A_41, %parallel_loop3A_211 : vector<16xi32>
      %parallel_loop3A_213 = tpu.vector_load_idx %arg6[%parallel_loop3A_212] : memref<32768xf32, #tpu.memory_space<vmem>>[vector<16xi32>], vector<16xf32>,
      %parallel_loop3A_214 = arith.constant 21 : i32
      %parallel_loop3A_215 = arith.index_cast %parallel_loop3A_214 : i32 to index
      %parallel_loop3A_216 = arith.index_cast %parallel_loop3A_39 : i32 to index
      %parallel_loop3A_217 = tpu.vector_load %arg7[%parallel_loop3A_215, %parallel_loop3A_216] {strides = array<i32>} : memref<32x1024xf32, #tpu.memory_space<vmem>>, vector<16xf32>,
      tpu.vector_store %arg7[%parallel_loop3A_215, %parallel_loop3A_216], %parallel_loop3A_213 {strides = array<i32>} : memref<32x1024xf32, #tpu.memory_space<vmem>>, vector<16xf32>,
      %parallel_loop3A_218 = arith.constant 22528 : i32
      %parallel_loop3A_219 = vector.broadcast %parallel_loop3A_218 : i32 to vector<16xi32>
      %parallel_loop3A_220 = arith.addi %parallel_loop3A_41, %parallel_loop3A_219 : vector<16xi32>
      %parallel_loop3A_221 = tpu.vector_load_idx %arg6[%parallel_loop3A_220] : memref<32768xf32, #tpu.memory_space<vmem>>[vector<16xi32>], vector<16xf32>,
      %parallel_loop3A_222 = arith.constant 22 : i32
      %parallel_loop3A_223 = arith.index_cast %parallel_loop3A_222 : i32 to index
      %parallel_loop3A_224 = arith.index_cast %parallel_loop3A_39 : i32 to index
      %parallel_loop3A_225 = tpu.vector_load %arg7[%parallel_loop3A_223, %parallel_loop3A_224] {strides = array<i32>} : memref<32x1024xf32, #tpu.memory_space<vmem>>, vector<16xf32>,
      tpu.vector_store %arg7[%parallel_loop3A_223, %parallel_loop3A_224], %parallel_loop3A_221 {strides = array<i32>} : memref<32x1024xf32, #tpu.memory_space<vmem>>, vector<16xf32>,
      %parallel_loop3A_226 = arith.constant 23552 : i32
      %parallel_loop3A_227 = vector.broadcast %parallel_loop3A_226 : i32 to vector<16xi32>
      %parallel_loop3A_228 = arith.addi %parallel_loop3A_41, %parallel_loop3A_227 : vector<16xi32>
      %parallel_loop3A_229 = tpu.vector_load_idx %arg6[%parallel_loop3A_228] : memref<32768xf32, #tpu.memory_space<vmem>>[vector<16xi32>], vector<16xf32>,
      %parallel_loop3A_230 = arith.constant 23 : i32
      %parallel_loop3A_231 = arith.index_cast %parallel_loop3A_230 : i32 to index
      %parallel_loop3A_232 = arith.index_cast %parallel_loop3A_39 : i32 to index
      %parallel_loop3A_233 = tpu.vector_load %arg7[%parallel_loop3A_231, %parallel_loop3A_232] {strides = array<i32>} : memref<32x1024xf32, #tpu.memory_space<vmem>>, vector<16xf32>,
      tpu.vector_store %arg7[%parallel_loop3A_231, %parallel_loop3A_232], %parallel_loop3A_229 {strides = array<i32>} : memref<32x1024xf32, #tpu.memory_space<vmem>>, vector<16xf32>,
      %parallel_loop3A_234 = arith.constant 24576 : i32
      %parallel_loop3A_235 = vector.broadcast %parallel_loop3A_234 : i32 to vector<16xi32>
      %parallel_loop3A_236 = arith.addi %parallel_loop3A_41, %parallel_loop3A_235 : vector<16xi32>
      %parallel_loop3A_237 = tpu.vector_load_idx %arg6[%parallel_loop3A_236] : memref<32768xf32, #tpu.memory_space<vmem>>[vector<16xi32>], vector<16xf32>,
      %parallel_loop3A_238 = arith.constant 24 : i32
      %parallel_loop3A_239 = arith.index_cast %parallel_loop3A_238 : i32 to index
      %parallel_loop3A_240 = arith.index_cast %parallel_loop3A_39 : i32 to index
      %parallel_loop3A_241 = tpu.vector_load %arg7[%parallel_loop3A_239, %parallel_loop3A_240] {strides = array<i32>} : memref<32x1024xf32, #tpu.memory_space<vmem>>, vector<16xf32>,
      tpu.vector_store %arg7[%parallel_loop3A_239, %parallel_loop3A_240], %parallel_loop3A_237 {strides = array<i32>} : memref<32x1024xf32, #tpu.memory_space<vmem>>, vector<16xf32>,
      %parallel_loop3A_242 = arith.constant 25600 : i32
      %parallel_loop3A_243 = vector.broadcast %parallel_loop3A_242 : i32 to vector<16xi32>
      %parallel_loop3A_244 = arith.addi %parallel_loop3A_41, %parallel_loop3A_243 : vector<16xi32>
      %parallel_loop3A_245 = tpu.vector_load_idx %arg6[%parallel_loop3A_244] : memref<32768xf32, #tpu.memory_space<vmem>>[vector<16xi32>], vector<16xf32>,
      %parallel_loop3A_246 = arith.constant 25 : i32
      %parallel_loop3A_247 = arith.index_cast %parallel_loop3A_246 : i32 to index
      %parallel_loop3A_248 = arith.index_cast %parallel_loop3A_39 : i32 to index
      %parallel_loop3A_249 = tpu.vector_load %arg7[%parallel_loop3A_247, %parallel_loop3A_248] {strides = array<i32>} : memref<32x1024xf32, #tpu.memory_space<vmem>>, vector<16xf32>,
      tpu.vector_store %arg7[%parallel_loop3A_247, %parallel_loop3A_248], %parallel_loop3A_245 {strides = array<i32>} : memref<32x1024xf32, #tpu.memory_space<vmem>>, vector<16xf32>,
      %parallel_loop3A_250 = arith.constant 26624 : i32
      %parallel_loop3A_251 = vector.broadcast %parallel_loop3A_250 : i32 to vector<16xi32>
      %parallel_loop3A_252 = arith.addi %parallel_loop3A_41, %parallel_loop3A_251 : vector<16xi32>
      %parallel_loop3A_253 = tpu.vector_load_idx %arg6[%parallel_loop3A_252] : memref<32768xf32, #tpu.memory_space<vmem>>[vector<16xi32>], vector<16xf32>,
      %parallel_loop3A_254 = arith.constant 26 : i32
      %parallel_loop3A_255 = arith.index_cast %parallel_loop3A_254 : i32 to index
      %parallel_loop3A_256 = arith.index_cast %parallel_loop3A_39 : i32 to index
      %parallel_loop3A_257 = tpu.vector_load %arg7[%parallel_loop3A_255, %parallel_loop3A_256] {strides = array<i32>} : memref<32x1024xf32, #tpu.memory_space<vmem>>, vector<16xf32>,
      tpu.vector_store %arg7[%parallel_loop3A_255, %parallel_loop3A_256], %parallel_loop3A_253 {strides = array<i32>} : memref<32x1024xf32, #tpu.memory_space<vmem>>, vector<16xf32>,
      %parallel_loop3A_258 = arith.constant 27648 : i32
      %parallel_loop3A_259 = vector.broadcast %parallel_loop3A_258 : i32 to vector<16xi32>
      %parallel_loop3A_260 = arith.addi %parallel_loop3A_41, %parallel_loop3A_259 : vector<16xi32>
      %parallel_loop3A_261 = tpu.vector_load_idx %arg6[%parallel_loop3A_260] : memref<32768xf32, #tpu.memory_space<vmem>>[vector<16xi32>], vector<16xf32>,
      %parallel_loop3A_262 = arith.constant 27 : i32
      %parallel_loop3A_263 = arith.index_cast %parallel_loop3A_262 : i32 to index
      %parallel_loop3A_264 = arith.index_cast %parallel_loop3A_39 : i32 to index
      %parallel_loop3A_265 = tpu.vector_load %arg7[%parallel_loop3A_263, %parallel_loop3A_264] {strides = array<i32>} : memref<32x1024xf32, #tpu.memory_space<vmem>>, vector<16xf32>,
      tpu.vector_store %arg7[%parallel_loop3A_263, %parallel_loop3A_264], %parallel_loop3A_261 {strides = array<i32>} : memref<32x1024xf32, #tpu.memory_space<vmem>>, vector<16xf32>,
      %parallel_loop3A_266 = arith.constant 28672 : i32
      %parallel_loop3A_267 = vector.broadcast %parallel_loop3A_266 : i32 to vector<16xi32>
      %parallel_loop3A_268 = arith.addi %parallel_loop3A_41, %parallel_loop3A_267 : vector<16xi32>
      %parallel_loop3A_269 = tpu.vector_load_idx %arg6[%parallel_loop3A_268] : memref<32768xf32, #tpu.memory_space<vmem>>[vector<16xi32>], vector<16xf32>,
      %parallel_loop3A_270 = arith.constant 28 : i32
      %parallel_loop3A_271 = arith.index_cast %parallel_loop3A_270 : i32 to index
      %parallel_loop3A_272 = arith.index_cast %parallel_loop3A_39 : i32 to index
      %parallel_loop3A_273 = tpu.vector_load %arg7[%parallel_loop3A_271, %parallel_loop3A_272] {strides = array<i32>} : memref<32x1024xf32, #tpu.memory_space<vmem>>, vector<16xf32>,
      tpu.vector_store %arg7[%parallel_loop3A_271, %parallel_loop3A_272], %parallel_loop3A_269 {strides = array<i32>} : memref<32x1024xf32, #tpu.memory_space<vmem>>, vector<16xf32>,
      %parallel_loop3A_274 = arith.constant 29696 : i32
      %parallel_loop3A_275 = vector.broadcast %parallel_loop3A_274 : i32 to vector<16xi32>
      %parallel_loop3A_276 = arith.addi %parallel_loop3A_41, %parallel_loop3A_275 : vector<16xi32>
      %parallel_loop3A_277 = tpu.vector_load_idx %arg6[%parallel_loop3A_276] : memref<32768xf32, #tpu.memory_space<vmem>>[vector<16xi32>], vector<16xf32>,
      %parallel_loop3A_278 = arith.constant 29 : i32
      %parallel_loop3A_279 = arith.index_cast %parallel_loop3A_278 : i32 to index
      %parallel_loop3A_280 = arith.index_cast %parallel_loop3A_39 : i32 to index
      %parallel_loop3A_281 = tpu.vector_load %arg7[%parallel_loop3A_279, %parallel_loop3A_280] {strides = array<i32>} : memref<32x1024xf32, #tpu.memory_space<vmem>>, vector<16xf32>,
      tpu.vector_store %arg7[%parallel_loop3A_279, %parallel_loop3A_280], %parallel_loop3A_277 {strides = array<i32>} : memref<32x1024xf32, #tpu.memory_space<vmem>>, vector<16xf32>,
      %parallel_loop3A_282 = arith.constant 30720 : i32
      %parallel_loop3A_283 = vector.broadcast %parallel_loop3A_282 : i32 to vector<16xi32>
      %parallel_loop3A_284 = arith.addi %parallel_loop3A_41, %parallel_loop3A_283 : vector<16xi32>
      %parallel_loop3A_285 = tpu.vector_load_idx %arg6[%parallel_loop3A_284] : memref<32768xf32, #tpu.memory_space<vmem>>[vector<16xi32>], vector<16xf32>,
      %parallel_loop3A_286 = arith.constant 30 : i32
      %parallel_loop3A_287 = arith.index_cast %parallel_loop3A_286 : i32 to index
      %parallel_loop3A_288 = arith.index_cast %parallel_loop3A_39 : i32 to index
      %parallel_loop3A_289 = tpu.vector_load %arg7[%parallel_loop3A_287, %parallel_loop3A_288] {strides = array<i32>} : memref<32x1024xf32, #tpu.memory_space<vmem>>, vector<16xf32>,
      tpu.vector_store %arg7[%parallel_loop3A_287, %parallel_loop3A_288], %parallel_loop3A_285 {strides = array<i32>} : memref<32x1024xf32, #tpu.memory_space<vmem>>, vector<16xf32>,
      %parallel_loop3A_290 = arith.constant 31744 : i32
      %parallel_loop3A_291 = vector.broadcast %parallel_loop3A_290 : i32 to vector<16xi32>
      %parallel_loop3A_292 = arith.addi %parallel_loop3A_41, %parallel_loop3A_291 : vector<16xi32>
      %parallel_loop3A_293 = tpu.vector_load_idx %arg6[%parallel_loop3A_292] : memref<32768xf32, #tpu.memory_space<vmem>>[vector<16xi32>], vector<16xf32>,
      %parallel_loop3A_294 = arith.constant 31 : i32
      %parallel_loop3A_295 = arith.index_cast %parallel_loop3A_294 : i32 to index
      %parallel_loop3A_296 = arith.index_cast %parallel_loop3A_39 : i32 to index
      %parallel_loop3A_297 = tpu.vector_load %arg7[%parallel_loop3A_295, %parallel_loop3A_296] {strides = array<i32>} : memref<32x1024xf32, #tpu.memory_space<vmem>>, vector<16xf32>,
      tpu.vector_store %arg7[%parallel_loop3A_295, %parallel_loop3A_296], %parallel_loop3A_293 {strides = array<i32>} : memref<32x1024xf32, #tpu.memory_space<vmem>>, vector<16xf32>,
    } {sc.loop_unroll_factor = 1 : i64, sc.parallel_access}
    %mul3A_37 = arith.constant 32 : i32
    %mul3A_38 = arith.muli %select_n3A_30, %mul3A_37 : i32
    "tpu.region"() ({
      %run_scoped3A = tpu.sem_alloc : memref<!tpu.dma_semaphore, #tpu.memory_space<semaphore_mem>>
      %dma_start3A = arith.constant 0 : i32
      %dma_start3A_39 = tpu.memref_slice %arg4[%select_n3A, %mul3A_38, %dma_start3A] : memref<16x64x1024xf32, #tpu.memory_space<hbm>> -> memref<1x32x1024xf32, #tpu.memory_space<hbm>>
      %dma_start3A_40 = tpu.memref_squeeze %dma_start3A_39 : memref<1x32x1024xf32, #tpu.memory_space<hbm>> -> memref<32x1024xf32, #tpu.memory_space<hbm>>
      %dma_start3A_41 = arith.constant 0 : i32
      %dma_start3A_42 = tpu.memref_slice %arg4[%select_n3A, %mul3A_38, %dma_start3A_41] : memref<16x64x1024xf32, #tpu.memory_space<hbm>> -> memref<1x32x1024xf32, #tpu.memory_space<hbm>>
      %dma_start3A_43 = tpu.memref_squeeze %dma_start3A_42 : memref<1x32x1024xf32, #tpu.memory_space<hbm>> -> memref<32x1024xf32, #tpu.memory_space<hbm>>
      tpu.enqueue_dma source(%arg7 : memref<32x1024xf32, #tpu.memory_space<vmem>>) target(%dma_start3A_43 : memref<32x1024xf32, #tpu.memory_space<hbm>>) target_semaphore(%run_scoped3A : memref<!tpu.dma_semaphore, #tpu.memory_space<semaphore_mem>>)
      %dma_wait3A = arith.constant 0 : i32
      %dma_wait3A_44 = tpu.memref_slice %arg4[%select_n3A, %mul3A_38, %dma_wait3A] : memref<16x64x1024xf32, #tpu.memory_space<hbm>> -> memref<1x32x1024xf32, #tpu.memory_space<hbm>>
      %dma_wait3A_45 = tpu.memref_squeeze %dma_wait3A_44 : memref<1x32x1024xf32, #tpu.memory_space<hbm>> -> memref<32x1024xf32, #tpu.memory_space<hbm>>
      %dma_wait3A_46 = arith.constant 0 : i32
      %dma_wait3A_47 = tpu.memref_slice %arg4[%select_n3A, %mul3A_38, %dma_wait3A_46] : memref<16x64x1024xf32, #tpu.memory_space<hbm>> -> memref<1x32x1024xf32, #tpu.memory_space<hbm>>
      %dma_wait3A_48 = tpu.memref_squeeze %dma_wait3A_47 : memref<1x32x1024xf32, #tpu.memory_space<hbm>> -> memref<32x1024xf32, #tpu.memory_space<hbm>>
      tpu.wait_dma2 semaphore(%run_scoped3A : memref<!tpu.dma_semaphore, #tpu.memory_space<semaphore_mem>>) src(%arg7 : memref<32x1024xf32, #tpu.memory_space<vmem>>) dst(%dma_wait3A_48 : memref<32x1024xf32, #tpu.memory_space<hbm>>)
      tpu.yield
    }) : () -> ()
    return
  }
}

module attributes {stable_mosaic.version = 14 : i64} {
  func.func @_vq_step(%arg0: i32, %arg1: memref<1x64x1024xf32, #tpu.memory_space<vmem>>, %arg2: memref<1024x64xf32, #tpu.memory_space<vmem>>, %arg3: memref<1x1024xf32, #tpu.memory_space<vmem>>, %arg4: memref<1x1xf32, #tpu.memory_space<vmem>>, %arg5: memref<1x1xf32, #tpu.memory_space<vmem>>, %arg6: memref<1x1024x1024xf32, #tpu.memory_space<vmem>>, %arg7: memref<16x1024xi32, #tpu.memory_space<vmem>>, %arg8: memref<1x1xf32, #tpu.memory_space<vmem>>) attributes {dimension_semantics = [#tpu.dimension_semantics<arbitrary>], iteration_bounds = array<i64: 16>, scalar_prefetch = 0 : i64, scratch_operands = 1 : i64, tpu.core_type = #tpu.core_type<tc>, window_params = [{transform_indices = @transform_0, window_bounds = array<i64: 1, 64, 1024>}, {pipeline_mode = #tpu.pipeline_mode<synchronous>, transform_indices = @transform_1, window_bounds = array<i64: 1024, 64>}, {pipeline_mode = #tpu.pipeline_mode<synchronous>, transform_indices = @transform_2, window_bounds = array<i64: 1, 1024>}, {pipeline_mode = #tpu.pipeline_mode<synchronous>, transform_indices = @transform_3, window_bounds = array<i64: 1, 1>}, {pipeline_mode = #tpu.pipeline_mode<synchronous>, transform_indices = @transform_4, window_bounds = array<i64: 1, 1>}, {transform_indices = @transform_5, window_bounds = array<i64: 1, 1024, 1024>}, {pipeline_mode = #tpu.pipeline_mode<synchronous>, transform_indices = @transform_6, window_bounds = array<i64: 16, 1024>}]} {
    %get3A = arith.constant 0 : index
    %get3A_0 = arith.constant 0 : index
    %get3A_1 = arith.constant 0 : index
    %get3A_2 = vector.load %arg1[%get3A, %get3A_0, %get3A_1] : memref<1x64x1024xf32, #tpu.memory_space<vmem>>, vector<1x64x1024xf32>
    %get3A_3 = vector.shape_cast %get3A_2 : vector<1x64x1024xf32> to vector<64x1024xf32>
    %get3A_4 = arith.constant 0 : index
    %get3A_5 = arith.constant 0 : index
    %get3A_6 = vector.load %arg2[%get3A_4, %get3A_5] : memref<1024x64xf32, #tpu.memory_space<vmem>>, vector<1024x64xf32>
    %get3A_7 = arith.constant 0 : index
    %get3A_8 = arith.constant 0 : index
    %get3A_9 = vector.load %arg3[%get3A_7, %get3A_8] : memref<1x1024xf32, #tpu.memory_space<vmem>>, vector<1x1024xf32>
    %transpose3A = tpu.transpose %get3A_3, [1, 0] : vector<64x1024xf32> -> vector<1024x64xf32>
    %dot_general3A = arith.constant dense<0.000000e+00> : vector<1024x1024xf32>
    %dot_general3A_10 = tpu.matmul %transpose3A, %get3A_6, %dot_general3A {dimension_numbers = #tpu.dot_dimension_numbers<[1], [1], [0], [0], [0, 0, 1, 0], [], []>, transpose_lhs_hint = false} : vector<1024x64xf32>, vector<1024x64xf32>, vector<1024x1024xf32> -> vector<1024x1024xf32>
    %mul3A = arith.mulf %transpose3A, %transpose3A : vector<1024x64xf32>
    %reduce_sum3A = arith.constant dense<0.000000e+00> : vector<1024xf32>
    %reduce_sum3A_11 = vector.multi_reduction <add>, %mul3A, %reduce_sum3A [1] : vector<1024x64xf32> to vector<1024xf32>
    %broadcast_in_dim3A = vector.shape_cast %reduce_sum3A_11 : vector<1024xf32> to vector<1024x1xf32>
    %add3A = vector.broadcast %broadcast_in_dim3A : vector<1024x1xf32> to vector<1024x1024xf32>
    %add3A_12 = vector.broadcast %get3A_9 : vector<1x1024xf32> to vector<1024x1024xf32>
    %add3A_13 = arith.addf %add3A, %add3A_12 : vector<1024x1024xf32>
    %mul3A_14 = arith.constant 2.000000e+00 : f32
    %mul3A_15 = vector.broadcast %mul3A_14 : f32 to vector<1024x1024xf32>
    %mul3A_16 = arith.mulf %mul3A_15, %dot_general3A_10 : vector<1024x1024xf32>
    %sub3A = arith.subf %add3A_13, %mul3A_16 : vector<1024x1024xf32>
    %reduce_min3A = arith.constant dense<0x7F800000> : vector<1024xf32>
    %reduce_min3A_17 = vector.multi_reduction <minimumf>, %sub3A, %reduce_min3A [1] : vector<1024x1024xf32> to vector<1024xf32>
    %broadcast_in_dim3A_18 = vector.shape_cast %reduce_min3A_17 : vector<1024xf32> to vector<1024x1xf32>
    %iota3A = tpu.iota {dimensions = array<i32: 1>} : vector<1024x1024xi32>
    %eq3A = vector.broadcast %broadcast_in_dim3A_18 : vector<1024x1xf32> to vector<1024x1024xf32>
    %eq3A_19 = arith.cmpf oeq, %sub3A, %eq3A : vector<1024x1024xf32>
    %jit3A = arith.constant 1024 : i32
    %broadcast_in_dim3A_20 = vector.broadcast %jit3A : i32 to vector<1024x1024xi32>
    %select_n3A = arith.select %eq3A_19, %iota3A, %broadcast_in_dim3A_20 : vector<1024x1024xi1>, vector<1024x1024xi32>
    %reduce_min3A_21 = arith.constant dense<2147483647> : vector<1024xi32>
    %reduce_min3A_22 = vector.multi_reduction <minsi>, %select_n3A, %reduce_min3A_21 [1] : vector<1024x1024xi32> to vector<1024xi32>
    %broadcast_in_dim3A_23 = vector.shape_cast %reduce_min3A_22 : vector<1024xi32> to vector<1024x1xi32>
    %eq3A_24 = vector.broadcast %broadcast_in_dim3A_23 : vector<1024x1xi32> to vector<1024x1024xi32>
    %eq3A_25 = arith.cmpi eq, %iota3A, %eq3A_24 : vector<1024x1024xi32>
    %convert_element_type3A = arith.extui %eq3A_25 : vector<1024x1024xi1> to vector<1024x1024xi32>
    %convert_element_type3A_26 = arith.sitofp %convert_element_type3A : vector<1024x1024xi32> to vector<1024x1024xf32>
    %swap3A = arith.constant 0 : index
    %swap3A_27 = arith.constant 0 : index
    %swap3A_28 = arith.constant 0 : index
    %swap3A_29 = vector.load %arg6[%swap3A, %swap3A_27, %swap3A_28] : memref<1x1024x1024xf32, #tpu.memory_space<vmem>>, vector<1x1024x1024xf32>
    %swap3A_30 = vector.shape_cast %swap3A_29 : vector<1x1024x1024xf32> to vector<1024x1024xf32>
    %swap3A_31 = vector.shape_cast %convert_element_type3A_26 : vector<1024x1024xf32> to vector<1x1024x1024xf32>
    tpu.vector_store %arg6[%swap3A, %swap3A_27, %swap3A_28], %swap3A_31 {strides = array<i32>} : memref<1x1024x1024xf32, #tpu.memory_space<vmem>>, vector<1x1024x1024xf32>,
    %transpose3A_32 = tpu.transpose %broadcast_in_dim3A_23, [1, 0] : vector<1024x1xi32> -> vector<1x1024xi32>
    %swap3A_33 = arith.index_cast %arg0 : i32 to index
    %swap3A_34 = arith.constant 0 : index
    %swap3A_35 = vector.load %arg7[%swap3A_33, %swap3A_34] : memref<16x1024xi32, #tpu.memory_space<vmem>>, vector<1x1024xi32>
    tpu.vector_store %arg7[%swap3A_33, %swap3A_34], %transpose3A_32 {strides = array<i32>} : memref<16x1024xi32, #tpu.memory_space<vmem>>, vector<1x1024xi32>,
    %reduce_sum3A_36 = vector.shape_cast %broadcast_in_dim3A_18 : vector<1024x1xf32> to vector<1x1024x1xf32>
    %reduce_sum3A_37 = arith.constant dense<0.000000e+00> : vector<1xf32>
    %reduce_sum3A_38 = vector.multi_reduction <add>, %reduce_sum3A_36, %reduce_sum3A_37 [1, 2] : vector<1x1024x1xf32> to vector<1xf32>
    %reduce_sum3A_39 = vector.shape_cast %reduce_sum3A_38 : vector<1xf32> to vector<1x1x1xf32>
    %reduce_sum3A_40 = vector.extract %reduce_sum3A_39[0, 0, 0] : f32 from vector<1x1x1xf32>
    %reshape3A = vector.broadcast %reduce_sum3A_40 : f32 to vector<1x1xf32>
    %eq3A_41 = arith.constant 0 : i32
    %eq3A_42 = arith.cmpi eq, %arg0, %eq3A_41 : i32
    %convert_element_type3A_43 = arith.extui %eq3A_42 : i1 to i32
    %cond3A = arith.constant 0 : i32
    %cond3A_44 = arith.cmpi ne, %convert_element_type3A_43, %cond3A : i32
    scf.if %cond3A_44 {
      %swap3A_54 = arith.constant 0 : index
      %swap3A_55 = arith.constant 0 : index
      %swap3A_56 = vector.load %arg8[%swap3A_54, %swap3A_55] : memref<1x1xf32, #tpu.memory_space<vmem>>, vector<1x1xf32>
      tpu.vector_store %arg8[%swap3A_54, %swap3A_55], %reshape3A {strides = array<i32>} : memref<1x1xf32, #tpu.memory_space<vmem>>, vector<1x1xf32>,
    } else {
    }
    %gt3A = arith.constant 0 : i32
    %gt3A_45 = arith.cmpi sgt, %arg0, %gt3A : i32
    %convert_element_type3A_46 = arith.extui %gt3A_45 : i1 to i32
    %cond3A_47 = arith.constant 0 : i32
    %cond3A_48 = arith.cmpi ne, %convert_element_type3A_46, %cond3A_47 : i32
    scf.if %cond3A_48 {
      %get3A_54 = arith.constant 0 : index
      %get3A_55 = arith.constant 0 : index
      %get3A_56 = vector.load %arg8[%get3A_54, %get3A_55] : memref<1x1xf32, #tpu.memory_space<vmem>>, vector<1x1xf32>
      %add3A_57 = arith.addf %get3A_56, %reshape3A : vector<1x1xf32>
      %swap3A_58 = arith.constant 0 : index
      %swap3A_59 = arith.constant 0 : index
      %swap3A_60 = vector.load %arg8[%swap3A_58, %swap3A_59] : memref<1x1xf32, #tpu.memory_space<vmem>>, vector<1x1xf32>
      tpu.vector_store %arg8[%swap3A_58, %swap3A_59], %add3A_57 {strides = array<i32>} : memref<1x1xf32, #tpu.memory_space<vmem>>, vector<1x1xf32>,
    } else {
    }
    %eq3A_49 = arith.constant 15 : i32
    %eq3A_50 = arith.cmpi eq, %arg0, %eq3A_49 : i32
    %convert_element_type3A_51 = arith.extui %eq3A_50 : i1 to i32
    %cond3A_52 = arith.constant 0 : i32
    %cond3A_53 = arith.cmpi ne, %convert_element_type3A_51, %cond3A_52 : i32
    scf.if %cond3A_53 {
      %get3A_54 = arith.constant 0 : index
      %get3A_55 = arith.constant 0 : index
      %get3A_56 = vector.load %arg8[%get3A_54, %get3A_55] : memref<1x1xf32, #tpu.memory_space<vmem>>, vector<1x1xf32>
      %mul3A_57 = arith.constant 9.53674316E-7 : f32
      %mul3A_58 = vector.broadcast %mul3A_57 : f32 to vector<1x1xf32>
      %mul3A_59 = arith.mulf %get3A_56, %mul3A_58 : vector<1x1xf32>
      %mul3A_60 = arith.constant 2.500000e-01 : f32
      %mul3A_61 = vector.broadcast %mul3A_60 : f32 to vector<1x1xf32>
      %mul3A_62 = arith.mulf %mul3A_61, %mul3A_59 : vector<1x1xf32>
      %add3A_63 = arith.addf %mul3A_59, %mul3A_62 : vector<1x1xf32>
      %swap3A_64 = arith.constant 0 : index
      %swap3A_65 = arith.constant 0 : index
      %swap3A_66 = vector.load %arg4[%swap3A_64, %swap3A_65] : memref<1x1xf32, #tpu.memory_space<vmem>>, vector<1x1xf32>
      tpu.vector_store %arg4[%swap3A_64, %swap3A_65], %add3A_63 {strides = array<i32>} : memref<1x1xf32, #tpu.memory_space<vmem>>, vector<1x1xf32>,
      %get3A_67 = arith.constant 0 : index
      %get3A_68 = arith.constant 0 : index
      %get3A_69 = vector.load %arg7[%get3A_67, %get3A_68] : memref<16x1024xi32, #tpu.memory_space<vmem>>, vector<16x1024xi32>
      %broadcast_in_dim3A_70 = arith.constant 0.000000e+00 : f32
      %broadcast_in_dim3A_71 = vector.broadcast %broadcast_in_dim3A_70 : f32 to vector<16x1024xf32>
      %slice3A = vector.extract_strided_slice %get3A_69 {offsets = [0, 0], sizes = [1, 1024], strides = [1, 1]} : vector<16x1024xi32> to vector<1x1024xi32>
      %eq3A_72 = vector.broadcast %slice3A : vector<1x1024xi32> to vector<16x1024xi32>
      %eq3A_73 = arith.cmpi eq, %get3A_69, %eq3A_72 : vector<16x1024xi32>
      %convert_element_type3A_74 = arith.extui %eq3A_73 : vector<16x1024xi1> to vector<16x1024xi32>
      %convert_element_type3A_75 = arith.sitofp %convert_element_type3A_74 : vector<16x1024xi32> to vector<16x1024xf32>
      %add3A_76 = arith.addf %broadcast_in_dim3A_71, %convert_element_type3A_75 : vector<16x1024xf32>
      %slice3A_77 = vector.extract_strided_slice %get3A_69 {offsets = [1, 0], sizes = [1, 1024], strides = [1, 1]} : vector<16x1024xi32> to vector<1x1024xi32>
      %eq3A_78 = vector.broadcast %slice3A_77 : vector<1x1024xi32> to vector<16x1024xi32>
      %eq3A_79 = arith.cmpi eq, %get3A_69, %eq3A_78 : vector<16x1024xi32>
      %convert_element_type3A_80 = arith.extui %eq3A_79 : vector<16x1024xi1> to vector<16x1024xi32>
      %convert_element_type3A_81 = arith.sitofp %convert_element_type3A_80 : vector<16x1024xi32> to vector<16x1024xf32>
      %add3A_82 = arith.addf %add3A_76, %convert_element_type3A_81 : vector<16x1024xf32>
      %slice3A_83 = vector.extract_strided_slice %get3A_69 {offsets = [2, 0], sizes = [1, 1024], strides = [1, 1]} : vector<16x1024xi32> to vector<1x1024xi32>
      %eq3A_84 = vector.broadcast %slice3A_83 : vector<1x1024xi32> to vector<16x1024xi32>
      %eq3A_85 = arith.cmpi eq, %get3A_69, %eq3A_84 : vector<16x1024xi32>
      %convert_element_type3A_86 = arith.extui %eq3A_85 : vector<16x1024xi1> to vector<16x1024xi32>
      %convert_element_type3A_87 = arith.sitofp %convert_element_type3A_86 : vector<16x1024xi32> to vector<16x1024xf32>
      %add3A_88 = arith.addf %add3A_82, %convert_element_type3A_87 : vector<16x1024xf32>
      %slice3A_89 = vector.extract_strided_slice %get3A_69 {offsets = [3, 0], sizes = [1, 1024], strides = [1, 1]} : vector<16x1024xi32> to vector<1x1024xi32>
      %eq3A_90 = vector.broadcast %slice3A_89 : vector<1x1024xi32> to vector<16x1024xi32>
      %eq3A_91 = arith.cmpi eq, %get3A_69, %eq3A_90 : vector<16x1024xi32>
      %convert_element_type3A_92 = arith.extui %eq3A_91 : vector<16x1024xi1> to vector<16x1024xi32>
      %convert_element_type3A_93 = arith.sitofp %convert_element_type3A_92 : vector<16x1024xi32> to vector<16x1024xf32>
      %add3A_94 = arith.addf %add3A_88, %convert_element_type3A_93 : vector<16x1024xf32>
      %slice3A_95 = vector.extract_strided_slice %get3A_69 {offsets = [4, 0], sizes = [1, 1024], strides = [1, 1]} : vector<16x1024xi32> to vector<1x1024xi32>
      %eq3A_96 = vector.broadcast %slice3A_95 : vector<1x1024xi32> to vector<16x1024xi32>
      %eq3A_97 = arith.cmpi eq, %get3A_69, %eq3A_96 : vector<16x1024xi32>
      %convert_element_type3A_98 = arith.extui %eq3A_97 : vector<16x1024xi1> to vector<16x1024xi32>
      %convert_element_type3A_99 = arith.sitofp %convert_element_type3A_98 : vector<16x1024xi32> to vector<16x1024xf32>
      %add3A_100 = arith.addf %add3A_94, %convert_element_type3A_99 : vector<16x1024xf32>
      %slice3A_101 = vector.extract_strided_slice %get3A_69 {offsets = [5, 0], sizes = [1, 1024], strides = [1, 1]} : vector<16x1024xi32> to vector<1x1024xi32>
      %eq3A_102 = vector.broadcast %slice3A_101 : vector<1x1024xi32> to vector<16x1024xi32>
      %eq3A_103 = arith.cmpi eq, %get3A_69, %eq3A_102 : vector<16x1024xi32>
      %convert_element_type3A_104 = arith.extui %eq3A_103 : vector<16x1024xi1> to vector<16x1024xi32>
      %convert_element_type3A_105 = arith.sitofp %convert_element_type3A_104 : vector<16x1024xi32> to vector<16x1024xf32>
      %add3A_106 = arith.addf %add3A_100, %convert_element_type3A_105 : vector<16x1024xf32>
      %slice3A_107 = vector.extract_strided_slice %get3A_69 {offsets = [6, 0], sizes = [1, 1024], strides = [1, 1]} : vector<16x1024xi32> to vector<1x1024xi32>
      %eq3A_108 = vector.broadcast %slice3A_107 : vector<1x1024xi32> to vector<16x1024xi32>
      %eq3A_109 = arith.cmpi eq, %get3A_69, %eq3A_108 : vector<16x1024xi32>
      %convert_element_type3A_110 = arith.extui %eq3A_109 : vector<16x1024xi1> to vector<16x1024xi32>
      %convert_element_type3A_111 = arith.sitofp %convert_element_type3A_110 : vector<16x1024xi32> to vector<16x1024xf32>
      %add3A_112 = arith.addf %add3A_106, %convert_element_type3A_111 : vector<16x1024xf32>
      %slice3A_113 = vector.extract_strided_slice %get3A_69 {offsets = [7, 0], sizes = [1, 1024], strides = [1, 1]} : vector<16x1024xi32> to vector<1x1024xi32>
      %eq3A_114 = vector.broadcast %slice3A_113 : vector<1x1024xi32> to vector<16x1024xi32>
      %eq3A_115 = arith.cmpi eq, %get3A_69, %eq3A_114 : vector<16x1024xi32>
      %convert_element_type3A_116 = arith.extui %eq3A_115 : vector<16x1024xi1> to vector<16x1024xi32>
      %convert_element_type3A_117 = arith.sitofp %convert_element_type3A_116 : vector<16x1024xi32> to vector<16x1024xf32>
      %add3A_118 = arith.addf %add3A_112, %convert_element_type3A_117 : vector<16x1024xf32>
      %slice3A_119 = vector.extract_strided_slice %get3A_69 {offsets = [8, 0], sizes = [1, 1024], strides = [1, 1]} : vector<16x1024xi32> to vector<1x1024xi32>
      %eq3A_120 = vector.broadcast %slice3A_119 : vector<1x1024xi32> to vector<16x1024xi32>
      %eq3A_121 = arith.cmpi eq, %get3A_69, %eq3A_120 : vector<16x1024xi32>
      %convert_element_type3A_122 = arith.extui %eq3A_121 : vector<16x1024xi1> to vector<16x1024xi32>
      %convert_element_type3A_123 = arith.sitofp %convert_element_type3A_122 : vector<16x1024xi32> to vector<16x1024xf32>
      %add3A_124 = arith.addf %add3A_118, %convert_element_type3A_123 : vector<16x1024xf32>
      %slice3A_125 = vector.extract_strided_slice %get3A_69 {offsets = [9, 0], sizes = [1, 1024], strides = [1, 1]} : vector<16x1024xi32> to vector<1x1024xi32>
      %eq3A_126 = vector.broadcast %slice3A_125 : vector<1x1024xi32> to vector<16x1024xi32>
      %eq3A_127 = arith.cmpi eq, %get3A_69, %eq3A_126 : vector<16x1024xi32>
      %convert_element_type3A_128 = arith.extui %eq3A_127 : vector<16x1024xi1> to vector<16x1024xi32>
      %convert_element_type3A_129 = arith.sitofp %convert_element_type3A_128 : vector<16x1024xi32> to vector<16x1024xf32>
      %add3A_130 = arith.addf %add3A_124, %convert_element_type3A_129 : vector<16x1024xf32>
      %slice3A_131 = vector.extract_strided_slice %get3A_69 {offsets = [10, 0], sizes = [1, 1024], strides = [1, 1]} : vector<16x1024xi32> to vector<1x1024xi32>
      %eq3A_132 = vector.broadcast %slice3A_131 : vector<1x1024xi32> to vector<16x1024xi32>
      %eq3A_133 = arith.cmpi eq, %get3A_69, %eq3A_132 : vector<16x1024xi32>
      %convert_element_type3A_134 = arith.extui %eq3A_133 : vector<16x1024xi1> to vector<16x1024xi32>
      %convert_element_type3A_135 = arith.sitofp %convert_element_type3A_134 : vector<16x1024xi32> to vector<16x1024xf32>
      %add3A_136 = arith.addf %add3A_130, %convert_element_type3A_135 : vector<16x1024xf32>
      %slice3A_137 = vector.extract_strided_slice %get3A_69 {offsets = [11, 0], sizes = [1, 1024], strides = [1, 1]} : vector<16x1024xi32> to vector<1x1024xi32>
      %eq3A_138 = vector.broadcast %slice3A_137 : vector<1x1024xi32> to vector<16x1024xi32>
      %eq3A_139 = arith.cmpi eq, %get3A_69, %eq3A_138 : vector<16x1024xi32>
      %convert_element_type3A_140 = arith.extui %eq3A_139 : vector<16x1024xi1> to vector<16x1024xi32>
      %convert_element_type3A_141 = arith.sitofp %convert_element_type3A_140 : vector<16x1024xi32> to vector<16x1024xf32>
      %add3A_142 = arith.addf %add3A_136, %convert_element_type3A_141 : vector<16x1024xf32>
      %slice3A_143 = vector.extract_strided_slice %get3A_69 {offsets = [12, 0], sizes = [1, 1024], strides = [1, 1]} : vector<16x1024xi32> to vector<1x1024xi32>
      %eq3A_144 = vector.broadcast %slice3A_143 : vector<1x1024xi32> to vector<16x1024xi32>
      %eq3A_145 = arith.cmpi eq, %get3A_69, %eq3A_144 : vector<16x1024xi32>
      %convert_element_type3A_146 = arith.extui %eq3A_145 : vector<16x1024xi1> to vector<16x1024xi32>
      %convert_element_type3A_147 = arith.sitofp %convert_element_type3A_146 : vector<16x1024xi32> to vector<16x1024xf32>
      %add3A_148 = arith.addf %add3A_142, %convert_element_type3A_147 : vector<16x1024xf32>
      %slice3A_149 = vector.extract_strided_slice %get3A_69 {offsets = [13, 0], sizes = [1, 1024], strides = [1, 1]} : vector<16x1024xi32> to vector<1x1024xi32>
      %eq3A_150 = vector.broadcast %slice3A_149 : vector<1x1024xi32> to vector<16x1024xi32>
      %eq3A_151 = arith.cmpi eq, %get3A_69, %eq3A_150 : vector<16x1024xi32>
      %convert_element_type3A_152 = arith.extui %eq3A_151 : vector<16x1024xi1> to vector<16x1024xi32>
      %convert_element_type3A_153 = arith.sitofp %convert_element_type3A_152 : vector<16x1024xi32> to vector<16x1024xf32>
      %add3A_154 = arith.addf %add3A_148, %convert_element_type3A_153 : vector<16x1024xf32>
      %slice3A_155 = vector.extract_strided_slice %get3A_69 {offsets = [14, 0], sizes = [1, 1024], strides = [1, 1]} : vector<16x1024xi32> to vector<1x1024xi32>
      %eq3A_156 = vector.broadcast %slice3A_155 : vector<1x1024xi32> to vector<16x1024xi32>
      %eq3A_157 = arith.cmpi eq, %get3A_69, %eq3A_156 : vector<16x1024xi32>
      %convert_element_type3A_158 = arith.extui %eq3A_157 : vector<16x1024xi1> to vector<16x1024xi32>
      %convert_element_type3A_159 = arith.sitofp %convert_element_type3A_158 : vector<16x1024xi32> to vector<16x1024xf32>
      %add3A_160 = arith.addf %add3A_154, %convert_element_type3A_159 : vector<16x1024xf32>
      %slice3A_161 = vector.extract_strided_slice %get3A_69 {offsets = [15, 0], sizes = [1, 1024], strides = [1, 1]} : vector<16x1024xi32> to vector<1x1024xi32>
      %eq3A_162 = vector.broadcast %slice3A_161 : vector<1x1024xi32> to vector<16x1024xi32>
      %eq3A_163 = arith.cmpi eq, %get3A_69, %eq3A_162 : vector<16x1024xi32>
      %convert_element_type3A_164 = arith.extui %eq3A_163 : vector<16x1024xi1> to vector<16x1024xi32>
      %convert_element_type3A_165 = arith.sitofp %convert_element_type3A_164 : vector<16x1024xi32> to vector<16x1024xf32>
      %add3A_166 = arith.addf %add3A_160, %convert_element_type3A_165 : vector<16x1024xf32>
      %mul3A_167 = arith.constant 6.250000e-02 : f32
      %mul3A_168 = vector.broadcast %mul3A_167 : f32 to vector<16x1024xf32>
      %mul3A_169 = arith.mulf %add3A_166, %mul3A_168 : vector<16x1024xf32>
      %add3A_170 = arith.constant 1.000000e-10 : f32
      %add3A_171 = vector.broadcast %add3A_170 : f32 to vector<16x1024xf32>
      %add3A_172 = arith.addf %mul3A_169, %add3A_171 : vector<16x1024xf32>
      %log3A = math.log %add3A_172 : vector<16x1024xf32>
      %reduce_sum3A_173 = vector.shape_cast %log3A : vector<16x1024xf32> to vector<1x16x1024xf32>
      %reduce_sum3A_174 = arith.constant dense<0.000000e+00> : vector<1xf32>
      %reduce_sum3A_175 = vector.multi_reduction <add>, %reduce_sum3A_173, %reduce_sum3A_174 [1, 2] : vector<1x16x1024xf32> to vector<1xf32>
      %reduce_sum3A_176 = vector.shape_cast %reduce_sum3A_175 : vector<1xf32> to vector<1x1x1xf32>
      %reduce_sum3A_177 = vector.extract %reduce_sum3A_176[0, 0, 0] : f32 from vector<1x1x1xf32>
      %mul3A_178 = arith.constant -6.250000e-02 : f32
      %mul3A_179 = arith.mulf %mul3A_178, %reduce_sum3A_177 : f32
      %exp3A = math.exp %mul3A_179 : f32
      %reshape3A_180 = vector.broadcast %exp3A : f32 to vector<1x1xf32>
      %swap3A_181 = arith.constant 0 : index
      %swap3A_182 = arith.constant 0 : index
      %swap3A_183 = vector.load %arg5[%swap3A_181, %swap3A_182] : memref<1x1xf32, #tpu.memory_space<vmem>>, vector<1x1xf32>
      tpu.vector_store %arg5[%swap3A_181, %swap3A_182], %reshape3A_180 {strides = array<i32>} : memref<1x1xf32, #tpu.memory_space<vmem>>, vector<1x1xf32>,
    } else {
    }
    return
  }
  func.func @transform_0(%arg0: i32) -> (i32, i32, i32) {
    %c0_i32 = arith.constant 0 : i32
    %c0_i32_0 = arith.constant 0 : i32
    %c0_i32_1 = arith.constant 0 : i32
    return %arg0, %c0_i32, %c0_i32_0 : i32, i32, i32
  }
  func.func @transform_1(%arg0: i32) -> (i32, i32) {
    %c0_i32 = arith.constant 0 : i32
    %c0_i32_0 = arith.constant 0 : i32
    %c0_i32_1 = arith.constant 0 : i32
    return %c0_i32, %c0_i32_0 : i32, i32
  }
  func.func @transform_2(%arg0: i32) -> (i32, i32) {
    %c0_i32 = arith.constant 0 : i32
    %c0_i32_0 = arith.constant 0 : i32
    %c0_i32_1 = arith.constant 0 : i32
    return %c0_i32, %c0_i32_0 : i32, i32
  }
  func.func @transform_3(%arg0: i32) -> (i32, i32) {
    %c0_i32 = arith.constant 0 : i32
    %c0_i32_0 = arith.constant 0 : i32
    %c0_i32_1 = arith.constant 0 : i32
    return %c0_i32, %c0_i32_0 : i32, i32
  }
  func.func @transform_4(%arg0: i32) -> (i32, i32) {
    %c0_i32 = arith.constant 0 : i32
    %c0_i32_0 = arith.constant 0 : i32
    %c0_i32_1 = arith.constant 0 : i32
    return %c0_i32, %c0_i32_0 : i32, i32
  }
  func.func @transform_5(%arg0: i32) -> (i32, i32, i32) {
    %c0_i32 = arith.constant 0 : i32
    %c0_i32_0 = arith.constant 0 : i32
    %c0_i32_1 = arith.constant 0 : i32
    return %arg0, %c0_i32, %c0_i32_0 : i32, i32, i32
  }
  func.func @transform_6(%arg0: i32) -> (i32, i32) {
    %c0_i32 = arith.constant 0 : i32
    %c0_i32_0 = arith.constant 0 : i32
    %c0_i32_1 = arith.constant 0 : i32
    return %c0_i32, %c0_i32_0 : i32, i32
  }
}

</mosaic_0001>

<sc_bundles>
// kernel: kernel.4.cloned.1.call-start
scs
__scs_entry_jumppad:
0x0: {  	(pc) =	sbr.rel $0x88, $3  }
0x1: {  	(tag) =	ssettag $0x0;
	lr =	simm.s32 $0x1  }
0x2: {  	[smem:$0x3F9F] =	sst lr;
	_ =	strace $0xD0000000  }
0x3: {  	_ = 	snop  }
0x4: {  	_ = 	snop  }
0x5: {  	_ = 	snop  }
0x6: {  	_ = 	snop  }
0x7: {  	_ = 	snop  }
__scs_overlays_trampoline_lowered:
0x8: {  	[smem:$0x3FAE] =	sst s0  }
0x9: {  	[smem:$0x3FAF] =	sst s1  }
0xa: {  	[smem:$0x3FB0] =	sst s2  }
0xb: {  	[smem:$0x3FB1] =	sst s3  }
0xc: {  	[smem:$0x3FB2] =	sst s4  }
0xd: {  	[smem:$0x3FB3] =	sst s5  }
0xe: {  	[smem:$0x3FB4] =	sst s6  }
0xf: {  	[smem:$0x3FB5] =	sst s7  }
0x10: {  	[smem:$0x3FB6] =	sst s8  }
0x11: {  	[smem:$0x3FB7] =	sst s9;
	s0 =	simm.s32 @!p0 $0x0  }
0x12: {  	s1 =	sld [smem:$0x3F9D];
	s0 =	simm.s32 @p0 $0x1  }
0x13: {  	[smem:$0x3FB8] =	sst s0;
	s0 =	simm.s32 @!p1 $0x0  }
0x14: {  	s2 =	sld [smem:$0x3F9C];
	s0 =	simm.s32 @p1 $0x1  }
0x15: {  	[smem:$0x3FB9] =	sst s0;
	s0 =	simm.s32 @!p2 $0x0  }
0x16: {  	s3 =	sld [smem:$0x3FDB];
	s0 =	simm.s32 @p2 $0x1  }
0x17: {  	s4 =	simm.s32 $0x1BF5;
	[smem:$0x3FBB] =	sst s0  }
0x18: {  	s0 =	sld [smem:$0x3F9E];
	_ =	swait.ge [sflag:s4], $0x0  }
0x19: {  	s7 =	sld [smem:$0x3F9F]  }
0x1a: {  	s8 =	sadd.s32 $0xFFFFE003, lr  }
0x1b: {  	s9 =	sadd.s32 $0xFFFFFEF7, lr;
	s5 =	simm.s32 $0xFFFFFFFF;
	p2 =	slt.u32 s8, $0xFFFFF086  }
0x1c: {  	p1 =	slt.u32 s9, $0xF7A;
	s5 =	simm.s32 @!p2 $0x0  }
0x1d: {  	s5 =	simm.s32 @p1 $0x1;
	p0 =	seq.s32 s7, s2  }
0x1e: {  	s7 =	smul.u32 @!p0 $0xF7A, s2;
	p2 =	seq.s32 @!p0 s5, $0x0  }
0x1f: {  	s9 =	smul.u32 $0xF7A, s1;
	s8 =	simm.s32 @!p0 $0x1BF5;
	p2 =	por !p2, p0  }
0x20: {  	[sflag:s8] =	ssyncset.s32 @!p0 $0xFFFFF086;
	s6 =	sadd.s32 @!p0 s3, s7;
	s7 =	simm.s32 @!p0 $0x108  }
0x21: {  	s3 =	sadd.s32 s3, s9;
	s6 =	sadd.s32 @!p0 $0x88, s6;
	s7 =	simm.s32 @p2 $0x1082  }
0x22: {  	[simem:s7], [sflag:s8] =	dma.local @!p0 [hbm:s6], $0xF7A  }
0x23: {  	s9 =	sor.u32 $0xD0000000, s2;
	s6 =	simm.s32 $0x108;
	_ =	swait.ge @!p0 [sflag:s8], $0x0  }
0x24: {  	s3 =	sadd.s32 $0x88, s3;
	s6 =	simm.s32 @!p1 $0x1082;
	[sflag:s4] =	ssyncset.s32 $0xFFFFF086  }
0x25: {  	[simem:s6], [sflag:s4] =	dma.local [hbm:s3], $0xF7A  }
0x26: {  	[smem:$0x3F9F] =	sst s1;
	(tag) =	ssettag s2;
	_ =	strace s9  }
0x27: {  	s1 =	sld [smem:$0x3FAF]  }
0x28: {  	s2 =	sld [smem:$0x3FB0]  }
0x29: {  	s4 =	sld [smem:$0x3FB2]  }
0x2a: {  	p0 =	seq.s32 s5, $0x0;
	s5 =	sld [smem:$0x3FB3]  }
0x2b: {  	s6 =	sld [smem:$0x3FB4]  }
0x2c: {  	s7 =	sld [smem:$0x3FB5]  }
0x2d: {  	s3 =	simm.s32 $0x108;
	s8 =	sld [smem:$0x3FB6]  }
0x2e: {  	s3 =	simm.s32 @!p0 $0x1082;
	s9 =	sld [smem:$0x3FB7]  }
0x2f: {  	lr =	sadd.s32 s0, s3;
	s0 =	sld [smem:$0x3FAE]  }
0x30: {  	s3 =	sld [smem:$0x3FB1]  }
0x31: {  	[smem:$0x3FBA] =	sst s10  }
0x32: {  	s10 =	sld [smem:$0x3FB8];
	_ =	sdelay $0x3  }
0x33: {  	p0 =	seq.s32 s10, $0x1;
	s10 =	sld [smem:$0x3FBA];
	_ =	sdelay $0x3  }
0x34: {  	[smem:$0x3FBA] =	sst s10  }
0x35: {  	s10 =	sld [smem:$0x3FB9];
	_ =	sdelay $0x3  }
0x36: {  	p1 =	seq.s32 s10, $0x1;
	s10 =	sld [smem:$0x3FBA];
	_ =	sdelay $0x3  }
0x37: {  	[smem:$0x3FBA] =	sst s10  }
0x38: {  	s10 =	sld [smem:$0x3FBB]  }
0x39: {  	_ = 	snop;
	(pc) =	sbr.ind lr, $3  }
0x3a: {  	_ = 	snop  }
0x3b: {  	_ = 	snop  }
0x3c: {  	p2 =	seq.s32 s10, $0x1;
	s10 =	sld [smem:$0x3FBA]  }
0x3d: {  	_ =	shalt  }
0x3e: {  	_ =	shalt  }
0x3f: {  	_ =	shalt  }
0x40: {  	_ =	shalt  }
0x41: {  	_ =	shalt  }
0x42: {  	_ =	shalt  }
0x43: {  	_ =	shalt  }
0x44: {  	_ =	shalt  }
0x45: {  	_ =	shalt  }
0x46: {  	_ =	shalt  }
0x47: {  	_ =	shalt  }
0x48: {  	_ =	shalt  }
0x49: {  	_ =	shalt  }
0x4a: {  	_ =	shalt  }
0x4b: {  	_ =	shalt  }
0x4c: {  	_ =	shalt  }
0x4d: {  	_ =	shalt  }
0x4e: {  	_ =	shalt  }
0x4f: {  	_ =	shalt  }
0x50: {  	_ =	shalt  }
0x51: {  	_ =	shalt  }
0x52: {  	_ =	shalt  }
0x53: {  	_ =	shalt  }
0x54: {  	_ =	shalt  }
0x55: {  	_ =	shalt  }
0x56: {  	_ =	shalt  }
0x57: {  	_ =	shalt  }
0x58: {  	_ =	shalt  }
0x59: {  	_ =	shalt  }
0x5a: {  	_ =	shalt  }
0x5b: {  	_ =	shalt  }
0x5c: {  	_ =	shalt  }
0x5d: {  	_ =	shalt  }
0x5e: {  	_ =	shalt  }
0x5f: {  	_ =	shalt  }
0x60: {  	_ =	shalt  }
0x61: {  	_ =	shalt  }
0x62: {  	_ =	shalt  }
0x63: {  	_ =	shalt  }
0x64: {  	_ =	shalt  }
0x65: {  	_ =	shalt  }
0x66: {  	_ =	shalt  }
0x67: {  	_ =	shalt  }
0x68: {  	_ =	shalt  }
0x69: {  	_ =	shalt  }
0x6a: {  	_ =	shalt  }
0x6b: {  	_ =	shalt  }
0x6c: {  	_ =	shalt  }
0x6d: {  	_ =	shalt  }
0x6e: {  	_ =	shalt  }
0x6f: {  	_ =	shalt  }
0x70: {  	_ =	shalt  }
0x71: {  	_ =	shalt  }
0x72: {  	_ =	shalt  }
0x73: {  	_ =	shalt  }
0x74: {  	_ =	shalt  }
0x75: {  	_ =	shalt  }
0x76: {  	_ =	shalt  }
0x77: {  	_ =	shalt  }
0x78: {  	_ =	shalt  }
0x79: {  	_ =	shalt  }
0x7a: {  	_ =	shalt  }
0x7b: {  	_ =	shalt  }
0x7c: {  	_ =	shalt  }
0x7d: {  	_ =	shalt  }
0x7e: {  	_ =	shalt  }
0x7f: {  	_ =	shalt  }
0x80: {  	_ =	shalt  }
0x81: {  	_ =	shalt  }
0x82: {  	_ =	shalt  }
0x83: {  	_ =	shalt  }
0x84: {  	_ =	shalt  }
0x85: {  	_ =	shalt  }
0x86: {  	_ =	shalt  }
0x87: {  	_ =	shalt  }
.Lfunc_end0:
.L_simem_size_0:
called_computation_lowered:
.L_overlay_start_0:
0x88: {  	s2 =	sld [smem:$0x3FD9]  }
0x89: {  	s3 =	sld [smem:$0x3FFE];
	_ =	sdelay $0x1  }
0x8a: {  	s1 =	srdreg.scid  }
0x8b: {  	s0 =	sand.u32 $0x1, s1  }
0x8c: {  	s14 =	sshll.u32 s0, $0xA;
	s2 =	sadd.s32 s3, s2  }
0x8d: {  	s2 =	sadd.s32 s2, s14  }
0x8e: {  	[smem:$0x3FC6] =	sst s2  }
0x8f: {  	_ = 	snop  }
0x90: {  	s2 =	sld [smem:$0x3FD0];
	_ =	sdelay $0x2  }
0x91: {  	s15 =	simm.s32 $0xA;
	s4 =	simm.s32 $0x10  }
0x92: {  	[smem:s4], [sflag:s15] =	dma.local [hbm:s2], $0x1  }
0x93: {  	_ =	swait.eq [sflag:s15], $0x1  }
0x94: {  	[sflag:s15] =	ssyncset.done $0x0  }
0x95: {  	s16 =	sld [smem:$0x10];
	[sflag:s15] =	ssyncadd.s32 $0xFFFFFFFF  }
0x96: {  	s17 =	sld [smem:$0x14];
	(tm) =	ssettm $0x1  }
0x97: {  	s18 =	sld [smem:$0x3FFB];
	_ =	sdelay $0x3  }
0x98: {  	_ =	strace s18  }
0x99: {  	s4 =	sld [smem:$0x3FFC];
	_ =	sdelay $0x3  }
0x9a: {  	_ =	strace s4  }
0x9b: {  	s4 =	sld [smem:$0x3FFD];
	_ =	sdelay $0x3  }
0x9c: {  	_ =	strace s4  }
0x9d: {  	_ =	strace $0x8FFFFFFF  }
0x9e: {  	s19 =	sld [smem:$0x3FDB];
	_ =	sdelay $0x1  }
0x9f: {  	s5 =	simm.s32 $_scs_section_size  }
0xa0: {  	s6 =	simm.s32 $_size__tile_overlayer_lowered;
	s7 =	simm.s32 $_tile_overlayer_lowered  }
0xa1: {  	s22 =	simm.s32 $0x1BFF;
	s21 =	sshll.u32 s7, $0x1;
	s4 =	sadd.s32 s5, s19  }
0xa2: {  	s8 =	simm.s32 $0x0;
	s20 =	sshll.u32 s6, $0x1;
	s6 =	sadd.s32 s21, s4  }
0xa3: {  	[timem:s8], [sflag:s22] =	dma.local [hbm:s6], s20  }
0xa4: {  	_ =	swait.ge [sflag:s22], s20  }
0xa5: {  	s5 =	ssub.s32 $0x0, s20;
	[sflag:s22] =	ssyncset.done $0x0  }
0xa6: {  	[sflag:s22] =	ssyncadd.s32 s5;
	_ =	sdelay $0x1  }
0xa7: {  	s23 =	simm.s32 $0x1B8B  }
0xa8: {  	_ =	swait.ge [sflag:s23], $0x1  }
0xa9: {  	[sflag:s23] =	ssyncset.done $0x0  }
0xaa: {  	s25 =	simm.s32 $0x1B8E;
	s24 =	sld [smem:$0x3FFE];
	[sflag:s23] =	ssyncadd.s32 $0xFFFFFFFF  }
0xab: {  	s26 =	simm.s32 $execute0_lowered;
	[smem:$0x3FD2] =	sst s25  }
0xac: {  	s6 =	sshll.u32 s26, $0x1;
	_ =	strace $0x80000046;
	[dreg:$0x1] =	wrdreg $0xFFFFFFFF  }
0xad: {  	s28 =	simm.s32 $_size_execute0_lowered;
	s4 =	sadd.s32 s4, s6;
	[dreg:$0x0] =	wrdreg $0x0  }
0xae: {  	s6 =	sshll.u32 s28, $0x1;
	[dreg:$0x2] =	wrdreg s4  }
0xaf: {  	[dreg:$0x3] =	wrdreg s6  }
0xb0: {  	[dreg:$0x4] =	wrdreg $0xC0  }
0xb1: {  	_ =	task [dreg:s8], $0x5FFFF  }
0xb2: {  	[dreg:$0x1] =	wrdreg $0xFFFFFFFF  }
0xb3: {  	[dreg:$0x0] =	wrdreg $0x60  }
0xb4: {  	[dreg:$0x2] =	wrdreg s24  }
0xb5: {  	[dreg:$0x3] =	wrdreg s17  }
0xb6: {  	[dreg:$0x4] =	wrdreg s16  }
0xb7: {  	[dreg:$0x5] =	wrdreg $0x9  }
0xb8: {  	_ =	task.clear_ibuf [dreg:s8], $0x6FFFF;
	_ =	strace $0x90000046  }
0xb9: {  	s29 =	simm.s32 $0x9;
	_ =	strace $0x80000048  }
0xba: {  	_ =	swait.ge [sflag:s29], $0x1  }
0xbb: {  	[sflag:s29] =	ssyncadd.s32 $0xFFFFFFFF  }
0xbc: {  	_ =	strace $0x90000048  }
0xbd: {  	_ =	sfence  }
0xbe: {  	s30 =	sld [smem:$0x0];
	_ =	sdelay $0x2  }
0xbf: {  	s31 =	sshll.u32 s1, $0xD;
	s1 =	sshrl.u32 s1, $0x2  }
0xc0: {  	s3 =	sand.u32 $0x4000, s31;
	s1 =	sadd.s32 s1, s30  }
0xc1: {  	s0 =	sor.u32 s3, s0;
	s1 =	sshll.u32 s1, $0x11  }
0xc2: {  	s0 =	sor.u32 s1, s0  }
0xc3: {  	s0 =	sadd.s32 $0x8F2B, s0  }
0xc4: {  	[sflag:s0] =	ssyncadd.remote.s32 $0x1  }
0xc5: {  	_ =	sfence.sel $0xFFFF  }
0xc6: {  	[dreg:$0x0] =	wrdreg $0xFFFFFFFF;
	(pc) =	sbr.abs _section_cstart, $3  }
0xc7: {  	[dreg:$0x1] =	wrdreg $0xFFFFFFFF  }
0xc8: {  	_ =	task.clear_ibuf [dreg:s8], $0x2FFFF;
	_ =	strace $0x9FFFFFFF  }
0xc9: {  	(tm) =	ssettm $0x7FFFFFFF  }
tec
execute0_lowered:
.L_overlay_start_1:
0x0: {  	(tag) =	ssettag $0x1  }
0x1: {  	s3 =	rddreg [dreg:$0x0]  }
0x2: {  	s0 =	srdreg.scid;
	s5 =	rddreg [dreg:$0x1]  }
0x3: {  	s6 =	rddreg [dreg:$0x2];
	s4 =	sand.u32 $0x1, s0;
	s0 =	stileid.u32  }
0x4: {  	s2 =	simm.s32 $0x0;
	s7 =	simm.s32 $0x1;
	s1 =	sor.u32 s4, s0  }
0x5: {  	[smem:$0x7FF] =	sst s2;
	p1 =	seq.s32 s4, $0x1;
	p0 =	seq.s32 s1, $0x0  }
0x6: {  	s8 =	sshll.u32 s4, $0xC;
	s29 =	ssub.s32 $0x2, s4;
	p0 =	por !p0, !p1  }
0x7: {  	s4 =	sshll.u32 s4, $0xF;
	s1 =	rddreg [dreg:$0x3];
	p0 =	por !p0, !p0  }
0x8: {  	_ =	strace $0x80000047;
	s8 =	sadd.s32 s8, s3;
	s7 =	simm.s32 @!p0 $0x0  }
0x9: {  	s9 =	sshrl.u32 s29, $0x1;
	s3 =	simm.s32 $0x1;
	s7 =	ssub.s32 s0, s7  }
0xa: {  	s9 =	ssub.s32 s29, s9;
	s10 =	sshll.u32 s7, $0xA;
	s11 =	sshll.u32 s7, $0x7  }
0xb: {  	s7 =	sshll.u32 s7, $0x10;
	s30 =	sand.u32 $0xFFFFE000, s10;
	s31 =	sand.u32 $0x380, s11  }
0xc: {  	s7 =	sor.u32 s4, s7;
	s4 =	sadd.s32 $0x400, s8;
	s8 =	simm.s32 $0x400  }
0xd: {  	s11 =	simm.s32 $0x0;
	s10 =	sor.u32 s31, s30;
	s7 =	sshrl.u32 s7, $0x3  }
0xe: {  	s10 =	sshrl.u32 s10, $0x3;
	s6 =	sadd.s32 s6, s7;
	s7 =	smax.u32 s9, $0x1  }
0xf: {  	s9 =	simm.s32 $0x80;
	s5 =	sadd.s32 s5, s10;
	s10 =	simm.s32 $0x8400  }
.LBB2_1:
0x10: {  	[tilespmem:s8], [sflag:$0x1] =	stream.linear.gather [hbm4b:s4+s2], $0x8000, $0x38;
	[tilespmem:$0x10400] =	vst v63  }
0x11: {  	_ =	swait.ge [sflag:s3], $0x8000  }
0x12: {  	[sflag:s3] =	ssyncset.done $0x0  }
0x13: {  	[sflag:s3] =	ssyncadd.s32 $0xFFFF8000  }
0x14: {  	[tilespmem:s2], [sflag:$0x1] =	stream.strided.gather [hbm4b:s5+s9], $0x400, s8, s9, $0x38;
	[tilespmem:$0x10400] =	vst v63  }
0x15: {  	_ =	swait.ge [sflag:s3], $0x400  }
0x16: {  	[sflag:s3] =	ssyncset.done $0x0  }
0x17: {  	[sflag:s3] =	ssyncadd.s32 $0xFFFFFC00  }
0x18: {  	v7 =	vld [tilespmem:s2+$0x0];
	_ =	sdelay $0x7  }
0x19: {  	v0 =	vld.idx.msk [tilespmem:v7+s8+$0x0], $0xffff  }
0x1a: {  	v1 =	vadd.s32 $0x400, v7  }
0x1b: {  	s12 =	simm.s32 $0x0  }
0x1c: {  	s14 =	sand.u32 $0x1C00, s2;
	s13 =	sand.u32 $0x70, s12  }
0x1d: {  	s16 =	sor.u32 s13, s14  }
0x1e: {  	[tilespmem:s16+$0x8400] =	vst v0  }
0x1f: {  	v0 =	vld.idx.msk [tilespmem:v1+s8+$0x0], $0xffff  }
0x20: {  	v1 =	vadd.s32 $0x800, v7;
	_ =	sdelay $0x3  }
0x21: {  	[tilespmem:s16+$0x8480] =	vst v0  }
0x22: {  	v0 =	vld.idx.msk [tilespmem:v1+s8+$0x0], $0xffff  }
0x23: {  	v1 =	vadd.s32 $0xC00, v7;
	_ =	sdelay $0x3  }
0x24: {  	[tilespmem:s16+$0x8500] =	vst v0  }
0x25: {  	v0 =	vld.idx.msk [tilespmem:v1+s8+$0x0], $0xffff  }
0x26: {  	s21 =	simm.s32 $0x10;
	v1 =	vadd.s32 $0x1000, v7  }
0x27: {  	v2 =	vld [tilespmem:s21+$0x0];
	_ =	sdelay $0x2  }
0x28: {  	[tilespmem:s16+$0x8580] =	vst v0  }
0x29: {  	v0 =	vld.idx.msk [tilespmem:v1+s8+$0x0], $0xffff  }
0x2a: {  	v1 =	vadd.s32 $0x1400, v7;
	_ =	sdelay $0x2  }
0x2b: {  	v3 =	vld.idx.msk [tilespmem:v2+s8+$0x0], $0xffff  }
0x2c: {  	[tilespmem:s16+$0x8600] =	vst v0;
	v0 =	vadd.s32 $0x400, v2  }
0x2d: {  	s22 =	simm.s32 $0x10;
	s17 =	simm.s32 $0x80;
	v1 =	vld.idx.msk [tilespmem:v1+s8+$0x0], $0xffff  }
0x2e: {  	s23 =	sand.u32 $0x70, s22;
	s15 =	sand.u32 $0x1C00, s17;
	v4 =	vadd.s32 $0x1800, v7  }
0x2f: {  	s14 =	sor.u32 s23, s15  }
0x30: {  	[tilespmem:s14+$0x8400] =	vst v3  }
0x31: {  	v0 =	vld.idx.msk [tilespmem:v0+s8+$0x0], $0xffff  }
0x32: {  	[tilespmem:s16+$0x8680] =	vst v1;
	v1 =	vadd.s32 $0x800, v2  }
0x33: {  	v3 =	vld.idx.msk [tilespmem:v4+s8+$0x0], $0xffff  }
0x34: {  	v4 =	vadd.s32 $0x1C00, v7;
	_ =	sdelay $0x1  }
0x35: {  	[tilespmem:s14+$0x8480] =	vst v0  }
0x36: {  	v0 =	vld.idx.msk [tilespmem:v1+s8+$0x0], $0xffff  }
0x37: {  	v1 =	vadd.s32 $0xC00, v2;
	[tilespmem:s16+$0x8700] =	vst v3  }
0x38: {  	v3 =	vld.idx.msk [tilespmem:v4+s8+$0x0], $0xffff  }
0x39: {  	v4 =	vadd.s32 $0x2000, v7;
	_ =	sdelay $0x1  }
0x3a: {  	s12 =	sor.u32 s2, s12;
	[tilespmem:s14+$0x8500] =	vst v0  }
0x3b: {  	s24 =	simm.s32 $0x20;
	s12 =	sor.u32 $0x380, s12;
	v1 =	vld.idx.msk [tilespmem:v1+s8+$0x0], $0xffff  }
0x3c: {  	v0 =	vld [tilespmem:s24+$0x0];
	[tilespmem:s12+$0x8400] =	vst v3;
	v3 =	vadd.s32 $0x1000, v2  }
0x3d: {  	v4 =	vld.idx.msk [tilespmem:v4+s8+$0x0], $0xffff  }
0x3e: {  	v5 =	vadd.s32 $0x2400, v7;
	_ =	sdelay $0x1  }
0x3f: {  	[tilespmem:s14+$0x8580] =	vst v1  }
0x40: {  	v1 =	vld.idx.msk [tilespmem:v3+s8+$0x0], $0xffff  }
0x41: {  	v3 =	vadd.s32 $0x1400, v2;
	[tilespmem:s16+$0xA400] =	vst v4  }
0x42: {  	v4 =	vld.idx.msk [tilespmem:v5+s8+$0x0], $0xffff  }
0x43: {  	v5 =	vadd.s32 $0x2800, v7  }
0x44: {  	v6 =	vld.idx.msk [tilespmem:v0+s8+$0x0], $0xffff  }
0x45: {  	[tilespmem:s14+$0x8600] =	vst v1;
	v1 =	vadd.s32 $0x400, v0  }
0x46: {  	s25 =	simm.s32 $0x20;
	s18 =	simm.s32 $0x100;
	v3 =	vld.idx.msk [tilespmem:v3+s8+$0x0], $0xffff  }
0x47: {  	s26 =	sand.u32 $0x70, s25;
	s19 =	sand.u32 $0x1C00, s18;
	[tilespmem:s16+$0xA480] =	vst v4;
	v4 =	vadd.s32 $0x1800, v2  }
0x48: {  	s12 =	sor.u32 s26, s19;
	v5 =	vld.idx.msk [tilespmem:v5+s8+$0x0], $0xffff  }
0x49: {  	[tilespmem:s12+$0x8400] =	vst v6;
	v6 =	vadd.s32 $0x2C00, v7  }
0x4a: {  	v1 =	vld.idx.msk [tilespmem:v1+s8+$0x0], $0xffff  }
0x4b: {  	[tilespmem:s14+$0x8680] =	vst v3;
	v3 =	vadd.s32 $0x800, v0  }
0x4c: {  	v4 =	vld.idx.msk [tilespmem:v4+s8+$0x0], $0xffff  }
0x4d: {  	[tilespmem:s16+$0xA500] =	vst v5;
	v5 =	vadd.s32 $0x1C00, v2  }
0x4e: {  	v6 =	vld.idx.msk [tilespmem:v6+s8+$0x0], $0xffff  }
0x4f: {  	[tilespmem:s12+$0x8480] =	vst v1;
	v1 =	vadd.s32 $0x3000, v7  }
0x50: {  	v3 =	vld.idx.msk [tilespmem:v3+s8+$0x0], $0xffff  }
0x51: {  	[tilespmem:s14+$0x8700] =	vst v4;
	v4 =	vadd.s32 $0xC00, v0  }
0x52: {  	v5 =	vld.idx.msk [tilespmem:v5+s8+$0x0], $0xffff  }
0x53: {  	[tilespmem:s16+$0xA580] =	vst v6;
	v6 =	vadd.s32 $0x2000, v2  }
0x54: {  	v8 =	vld.idx.msk [tilespmem:v1+s8+$0x0], $0xffff  }
0x55: {  	s13 =	sor.u32 s17, s22;
	[tilespmem:s12+$0x8500] =	vst v3;
	v3 =	vadd.s32 $0x3400, v7  }
0x56: {  	s28 =	simm.s32 $0x30;
	s13 =	sor.u32 $0x380, s13;
	v4 =	vld.idx.msk [tilespmem:v4+s8+$0x0], $0xffff  }
0x57: {  	v1 =	vld [tilespmem:s28+$0x0];
	[tilespmem:s13+$0x8400] =	vst v5;
	v5 =	vadd.s32 $0x1000, v0  }
0x58: {  	v6 =	vld.idx.msk [tilespmem:v6+s8+$0x0], $0xffff  }
0x59: {  	v9 =	vadd.s32 $0x2400, v2;
	[tilespmem:s16+$0xA600] =	vst v8  }
0x5a: {  	v3 =	vld.idx.msk [tilespmem:v3+s8+$0x0], $0xffff  }
0x5b: {  	[tilespmem:s12+$0x8580] =	vst v4;
	v4 =	vadd.s32 $0x3800, v7  }
0x5c: {  	v5 =	vld.idx.msk [tilespmem:v5+s8+$0x0], $0xffff  }
0x5d: {  	[tilespmem:s14+$0xA400] =	vst v6;
	v6 =	vadd.s32 $0x1400, v0  }
0x5e: {  	v8 =	vld.idx.msk [tilespmem:v9+s8+$0x0], $0xffff  }
0x5f: {  	v9 =	vld.idx.msk [tilespmem:v1+s8+$0x0], $0xffff;
	[tilespmem:s16+$0xA680] =	vst v3;
	v3 =	vadd.s32 $0x2800, v2  }
0x60: {  	v10 =	vadd.s32 $0x400, v1;
	v4 =	vld.idx.msk [tilespmem:v4+s8+$0x0], $0xffff  }
0x61: {  	s29 =	simm.s32 $0x30;
	s20 =	simm.s32 $0x180;
	[tilespmem:s12+$0x8600] =	vst v5;
	v5 =	vadd.s32 $0x3C00, v7  }
0x62: {  	s30 =	sand.u32 $0x70, s29;
	s31 =	sand.u32 $0x1C00, s20;
	v6 =	vld.idx.msk [tilespmem:v6+s8+$0x0], $0xffff  }
0x63: {  	s13 =	sor.u32 s30, s31;
	[tilespmem:s14+$0xA480] =	vst v8;
	v8 =	vadd.s32 $0x1800, v0  }
0x64: {  	[tilespmem:s13+$0x8400] =	vst v9;
	v3 =	vld.idx.msk [tilespmem:v3+s8+$0x0], $0xffff  }
0x65: {  	v9 =	vld.idx.msk [tilespmem:v10+s8+$0x0], $0xffff;
	[tilespmem:s16+$0xA700] =	vst v4;
	v4 =	vadd.s32 $0x2C00, v2  }
0x66: {  	v10 =	vadd.s32 $0x800, v1;
	v5 =	vld.idx.msk [tilespmem:v5+s8+$0x0], $0xffff  }
0x67: {  	[tilespmem:s12+$0x8680] =	vst v6;
	v6 =	vadd.s32 $0x4000, v7  }
0x68: {  	v8 =	vld.idx.msk [tilespmem:v8+s8+$0x0], $0xffff  }
0x69: {  	[tilespmem:s14+$0xA500] =	vst v3;
	v3 =	vadd.s32 $0x1C00, v0  }
0x6a: {  	[tilespmem:s13+$0x8480] =	vst v9;
	v4 =	vld.idx.msk [tilespmem:v4+s8+$0x0], $0xffff  }
0x6b: {  	v9 =	vld.idx.msk [tilespmem:v10+s8+$0x0], $0xffff;
	[tilespmem:s16+$0xA780] =	vst v5;
	v5 =	vadd.s32 $0x3000, v2  }
0x6c: {  	v10 =	vadd.s32 $0xC00, v1;
	v6 =	vld.idx.msk [tilespmem:v6+s8+$0x0], $0xffff  }
0x6d: {  	[tilespmem:s12+$0x8700] =	vst v8;
	v8 =	vadd.s32 $0x4400, v7  }
0x6e: {  	v3 =	vld.idx.msk [tilespmem:v3+s8+$0x0], $0xffff  }
0x6f: {  	[tilespmem:s14+$0xA580] =	vst v4;
	v4 =	vadd.s32 $0x2000, v0  }
0x70: {  	[tilespmem:s13+$0x8500] =	vst v9;
	v5 =	vld.idx.msk [tilespmem:v5+s8+$0x0], $0xffff  }
0x71: {  	s15 =	sor.u32 s18, s25;
	v9 =	vld.idx.msk [tilespmem:v10+s8+$0x0], $0xffff;
	[tilespmem:s16+$0xC400] =	vst v6;
	v6 =	vadd.s32 $0x3400, v2  }
0x72: {  	s18 =	simm.s32 $0x40;
	s15 =	sor.u32 $0x380, s15;
	v11 =	vadd.s32 $0x1000, v1;
	v8 =	vld.idx.msk [tilespmem:v8+s8+$0x0], $0xffff  }
0x73: {  	v10 =	vadd.s32 $0x4800, v7;
	[tilespmem:s15+$0x8400] =	vst v3;
	v3 =	vld [tilespmem:s18+$0x0]  }
0x74: {  	v4 =	vld.idx.msk [tilespmem:v4+s8+$0x0], $0xffff  }
0x75: {  	v12 =	vadd.s32 $0x2400, v0;
	[tilespmem:s14+$0xA600] =	vst v5  }
0x76: {  	[tilespmem:s13+$0x8580] =	vst v9;
	v5 =	vld.idx.msk [tilespmem:v6+s8+$0x0], $0xffff  }
0x77: {  	v6 =	vadd.s32 $0x3800, v2;
	v9 =	vld.idx.msk [tilespmem:v11+s8+$0x0], $0xffff;
	[tilespmem:s16+$0xC480] =	vst v8  }
0x78: {  	v8 =	vld.idx.msk [tilespmem:v10+s8+$0x0], $0xffff;
	v10 =	vadd.s32 $0x1400, v1  }
0x79: {  	[tilespmem:s12+$0xA400] =	vst v4;
	v4 =	vadd.s32 $0x4C00, v7  }
0x7a: {  	v11 =	vld.idx.msk [tilespmem:v12+s8+$0x0], $0xffff  }
0x7b: {  	[tilespmem:s14+$0xA680] =	vst v5;
	v5 =	vadd.s32 $0x2800, v0;
	v12 =	vld.idx.msk [tilespmem:v3+s8+$0x0], $0xffff  }
0x7c: {  	[tilespmem:s13+$0x8600] =	vst v9;
	v9 =	vadd.s32 $0x400, v3;
	v6 =	vld.idx.msk [tilespmem:v6+s8+$0x0], $0xffff  }
0x7d: {  	s24 =	simm.s32 $0x200;
	s19 =	simm.s32 $0x40;
	[tilespmem:s16+$0xC500] =	vst v8;
	v8 =	vadd.s32 $0x3C00, v2;
	v10 =	vld.idx.msk [tilespmem:v10+s8+$0x0], $0xffff  }
0x7e: {  	s21 =	sand.u32 $0x1C00, s24;
	s25 =	sand.u32 $0x70, s19;
	v13 =	vadd.s32 $0x1800, v1;
	v4 =	vld.idx.msk [tilespmem:v4+s8+$0x0], $0xffff  }
0x7f: {  	s15 =	sor.u32 s25, s21;
	[tilespmem:s12+$0xA480] =	vst v11;
	v11 =	vadd.s32 $0x5000, v7  }
0x80: {  	v5 =	vld.idx.msk [tilespmem:v5+s8+$0x0], $0xffff;
	[tilespmem:s15+$0x8400] =	vst v12  }
0x81: {  	[tilespmem:s14+$0xA700] =	vst v6;
	v9 =	vld.idx.msk [tilespmem:v9+s8+$0x0], $0xffff  }
0x82: {  	v6 =	vadd.s32 $0x2C00, v0;
	v8 =	vld.idx.msk [tilespmem:v8+s8+$0x0], $0xffff;
	[tilespmem:s13+$0x8680] =	vst v10  }
0x83: {  	[tilespmem:s16+$0xC580] =	vst v4;
	v4 =	vadd.s32 $0x4000, v2;
	v12 =	vld.idx.msk [tilespmem:v13+s8+$0x0], $0xffff  }
0x84: {  	v10 =	vld.idx.msk [tilespmem:v11+s8+$0x0], $0xffff;
	v11 =	vadd.s32 $0x800, v3  }
0x85: {  	v13 =	vadd.s32 $0x1C00, v1;
	[tilespmem:s12+$0xA500] =	vst v5  }
0x86: {  	v5 =	vadd.s32 $0x5400, v7;
	[tilespmem:s15+$0x8480] =	vst v9  }
0x87: {  	v6 =	vld.idx.msk [tilespmem:v6+s8+$0x0], $0xffff;
	[tilespmem:s14+$0xA780] =	vst v8  }
0x88: {  	v8 =	vadd.s32 $0x3000, v0;
	v9 =	vld.idx.msk [tilespmem:v4+s8+$0x0], $0xffff;
	[tilespmem:s13+$0x8700] =	vst v12  }
0x89: {  	v11 =	vld.idx.msk [tilespmem:v11+s8+$0x0], $0xffff;
	[tilespmem:s16+$0xC600] =	vst v10;
	v10 =	vadd.s32 $0x4400, v2  }
0x8a: {  	v12 =	vadd.s32 $0xC00, v3;
	v13 =	vld.idx.msk [tilespmem:v13+s8+$0x0], $0xffff  }
0x8b: {  	s26 =	simm.s32 $0x50;
	v14 =	vadd.s32 $0x2000, v1;
	v5 =	vld.idx.msk [tilespmem:v5+s8+$0x0], $0xffff  }
0x8c: {  	v4 =	vld [tilespmem:s26+$0x0];
	[tilespmem:s12+$0xA580] =	vst v6;
	v6 =	vadd.s32 $0x5800, v7  }
0x8d: {  	s17 =	sor.u32 s20, s29;
	v8 =	vld.idx.msk [tilespmem:v8+s8+$0x0], $0xffff;
	[tilespmem:s14+$0xC400] =	vst v9  }
0x8e: {  	s17 =	sor.u32 $0x380, s17;
	v9 =	vadd.s32 $0x3400, v0;
	[tilespmem:s15+$0x8500] =	vst v11;
	v10 =	vld.idx.msk [tilespmem:v10+s8+$0x0], $0xffff  }
0x8f: {  	[tilespmem:s17+$0x8400] =	vst v13;
	v11 =	vld.idx.msk [tilespmem:v12+s8+$0x0], $0xffff  }
0x90: {  	[tilespmem:s16+$0xC680] =	vst v5;
	v12 =	vadd.s32 $0x4800, v2;
	v14 =	vld.idx.msk [tilespmem:v14+s8+$0x0], $0xffff  }
0x91: {  	s28 =	simm.s32 $0x60;
	v13 =	vadd.s32 $0x1000, v3;
	v6 =	vld.idx.msk [tilespmem:v6+s8+$0x0], $0xffff  }
0x92: {  	v5 =	vld [tilespmem:s28+$0x0];
	[tilespmem:s12+$0xA600] =	vst v8;
	v8 =	vadd.s32 $0x5C00, v7  }
0x93: {  	v15 =	vadd.s32 $0x2400, v1;
	v9 =	vld.idx.msk [tilespmem:v9+s8+$0x0], $0xffff  }
0x94: {  	v16 =	vld.idx.msk [tilespmem:v4+s8+$0x0], $0xffff;
	[tilespmem:s14+$0xC480] =	vst v10;
	v10 =	vadd.s32 $0x3800, v0  }
0x95: {  	[tilespmem:s15+$0x8580] =	vst v11;
	v11 =	vld.idx.msk [tilespmem:v12+s8+$0x0], $0xffff  }
0x96: {  	v12 =	vld.idx.msk [tilespmem:v13+s8+$0x0], $0xffff;
	[tilespmem:s16+$0xC700] =	vst v6;
	v6 =	vadd.s32 $0x4C00, v2  }
0x97: {  	[tilespmem:s13+$0xA400] =	vst v14;
	v13 =	vadd.s32 $0x1400, v3;
	v8 =	vld.idx.msk [tilespmem:v8+s8+$0x0], $0xffff  }
0x98: {  	v14 =	vld.idx.msk [tilespmem:v15+s8+$0x0], $0xffff;
	[tilespmem:s12+$0xA680] =	vst v9;
	v9 =	vadd.s32 $0x6000, v7  }
0x99: {  	v15 =	vadd.s32 $0x2800, v1;
	v10 =	vld.idx.msk [tilespmem:v10+s8+$0x0], $0xffff  }
0x9a: {  	v18 =	vld.idx.msk [tilespmem:v5+s8+$0x0], $0xffff;
	[tilespmem:s14+$0xC500] =	vst v11;
	v11 =	vadd.s32 $0x3C00, v0  }
0x9b: {  	[tilespmem:s15+$0x8600] =	vst v12;
	v6 =	vld.idx.msk [tilespmem:v6+s8+$0x0], $0xffff;
	v12 =	vadd.s32 $0x400, v4  }
0x9c: {  	s22 =	simm.s32 $0x50;
	s23 =	simm.s32 $0x280;
	v13 =	vld.idx.msk [tilespmem:v13+s8+$0x0], $0xffff;
	[tilespmem:s16+$0xC780] =	vst v8;
	v8 =	vadd.s32 $0x5000, v2  }
0x9d: {  	s29 =	sand.u32 $0x70, s22;
	s30 =	sand.u32 $0x1C00, s23;
	[tilespmem:s13+$0xA480] =	vst v14;
	v14 =	vadd.s32 $0x1800, v3;
	v9 =	vld.idx.msk [tilespmem:v9+s8+$0x0], $0xffff  }
0x9e: {  	s17 =	sor.u32 s29, s30;
	v15 =	vld.idx.msk [tilespmem:v15+s8+$0x0], $0xffff;
	[tilespmem:s12+$0xA700] =	vst v10;
	v10 =	vadd.s32 $0x6400, v7  }
0x9f: {  	[tilespmem:s17+$0x8400] =	vst v16;
	v16 =	vadd.s32 $0x2C00, v1;
	v11 =	vld.idx.msk [tilespmem:v11+s8+$0x0], $0xffff  }
0xa0: {  	v12 =	vld.idx.msk [tilespmem:v12+s8+$0x0], $0xffff;
	[tilespmem:s14+$0xC580] =	vst v6;
	v6 =	vadd.s32 $0x4000, v0  }
0xa1: {  	[tilespmem:s15+$0x8680] =	vst v13;
	v8 =	vld.idx.msk [tilespmem:v8+s8+$0x0], $0xffff;
	v13 =	vadd.s32 $0x800, v4  }
0xa2: {  	v14 =	vld.idx.msk [tilespmem:v14+s8+$0x0], $0xffff;
	[tilespmem:s16+$0xE400] =	vst v9;
	v9 =	vadd.s32 $0x5400, v2  }
0xa3: {  	[tilespmem:s13+$0xA500] =	vst v15;
	v15 =	vadd.s32 $0x1C00, v3;
	v10 =	vld.idx.msk [tilespmem:v10+s8+$0x0], $0xffff  }
0xa4: {  	v16 =	vld.idx.msk [tilespmem:v16+s8+$0x0], $0xffff;
	[tilespmem:s12+$0xA780] =	vst v11;
	v11 =	vadd.s32 $0x6800, v7  }
0xa5: {  	[tilespmem:s17+$0x8480] =	vst v12;
	v12 =	vadd.s32 $0x3000, v1;
	v6 =	vld.idx.msk [tilespmem:v6+s8+$0x0], $0xffff  }
0xa6: {  	v13 =	vld.idx.msk [tilespmem:v13+s8+$0x0], $0xffff;
	[tilespmem:s14+$0xC600] =	vst v8;
	v8 =	vadd.s32 $0x4400, v0  }
0xa7: {  	[tilespmem:s15+$0x8700] =	vst v14;
	v9 =	vld.idx.msk [tilespmem:v9+s8+$0x0], $0xffff;
	v14 =	vadd.s32 $0xC00, v4  }
0xa8: {  	v15 =	vld.idx.msk [tilespmem:v15+s8+$0x0], $0xffff;
	[tilespmem:s16+$0xE480] =	vst v10;
	v10 =	vadd.s32 $0x5800, v2  }
0xa9: {  	[tilespmem:s13+$0xA580] =	vst v16;
	v16 =	vadd.s32 $0x2000, v3;
	v11 =	vld.idx.msk [tilespmem:v11+s8+$0x0], $0xffff  }
0xaa: {  	v12 =	vld.idx.msk [tilespmem:v12+s8+$0x0], $0xffff;
	[tilespmem:s12+$0xC400] =	vst v6;
	v6 =	vadd.s32 $0x6C00, v7  }
0xab: {  	s18 =	sor.u32 s24, s19;
	[tilespmem:s17+$0x8500] =	vst v13;
	v8 =	vld.idx.msk [tilespmem:v8+s8+$0x0], $0xffff  }
0xac: {  	s18 =	sor.u32 $0x380, s18;
	v19 =	vadd.s32 $0x400, v5;
	v14 =	vld.idx.msk [tilespmem:v14+s8+$0x0], $0xffff;
	[tilespmem:s14+$0xC680] =	vst v9  }
0xad: {  	s20 =	simm.s32 $0x60;
	s21 =	simm.s32 $0x300;
	v13 =	vadd.s32 $0x3400, v1;
	[tilespmem:s18+$0x8400] =	vst v15;
	v10 =	vld.idx.msk [tilespmem:v10+s8+$0x0], $0xffff  }
0xae: {  	s31 =	sand.u32 $0x70, s20;
	s24 =	sand.u32 $0x1C00, s21;
	v9 =	vadd.s32 $0x4800, v0;
	v16 =	vld.idx.msk [tilespmem:v16+s8+$0x0], $0xffff;
	[tilespmem:s16+$0xE500] =	vst v11  }
0xaf: {  	s19 =	simm.s32 $0x70;
	v15 =	vadd.s32 $0x1000, v4;
	s18 =	sor.u32 s31, s24;
	[tilespmem:s13+$0xA600] =	vst v12;
	v12 =	vld.idx.msk [tilespmem:v6+s8+$0x0], $0xffff  }
0xb0: {  	v11 =	vadd.s32 $0x5C00, v2;
	[tilespmem:s18+$0x8400] =	vst v18;
	v6 =	vld [tilespmem:s19+$0x0]  }
0xb1: {  	v17 =	vadd.s32 $0x2400, v3;
	v18 =	vld.idx.msk [tilespmem:v19+s8+$0x0], $0xffff  }
0xb2: {  	v13 =	vld.idx.msk [tilespmem:v13+s8+$0x0], $0xffff;
	[tilespmem:s12+$0xC480] =	vst v8;
	v8 =	vadd.s32 $0x7000, v7  }
0xb3: {  	v19 =	vadd.s32 $0x800, v5;
	[tilespmem:s17+$0x8580] =	vst v14;
	v9 =	vld.idx.msk [tilespmem:v9+s8+$0x0], $0xffff  }
0xb4: {  	v14 =	vadd.s32 $0x3800, v1;
	v15 =	vld.idx.msk [tilespmem:v15+s8+$0x0], $0xffff;
	[tilespmem:s14+$0xC700] =	vst v10  }
0xb5: {  	v10 =	vadd.s32 $0x4C00, v0;
	[tilespmem:s15+$0xA400] =	vst v16;
	v11 =	vld.idx.msk [tilespmem:v11+s8+$0x0], $0xffff  }
0xb6: {  	v16 =	vadd.s32 $0x1400, v4;
	v17 =	vld.idx.msk [tilespmem:v17+s8+$0x0], $0xffff;
	[tilespmem:s16+$0xE580] =	vst v12  }
0xb7: {  	v12 =	vadd.s32 $0x6000, v2;
	[tilespmem:s18+$0x8480] =	vst v18;
	v8 =	vld.idx.msk [tilespmem:v8+s8+$0x0], $0xffff  }
0xb8: {  	[tilespmem:s13+$0xA680] =	vst v13;
	v13 =	vadd.s32 $0x2800, v3;
	v18 =	vld.idx.msk [tilespmem:v19+s8+$0x0], $0xffff  }
0xb9: {  	v14 =	vld.idx.msk [tilespmem:v14+s8+$0x0], $0xffff;
	[tilespmem:s12+$0xC500] =	vst v9;
	v9 =	vadd.s32 $0x7400, v7  }
0xba: {  	[tilespmem:s17+$0x8600] =	vst v15;
	v15 =	vadd.s32 $0x3C00, v1;
	v10 =	vld.idx.msk [tilespmem:v10+s8+$0x0], $0xffff  }
0xbb: {  	v16 =	vld.idx.msk [tilespmem:v16+s8+$0x0], $0xffff;
	[tilespmem:s14+$0xC780] =	vst v11;
	v11 =	vadd.s32 $0x5000, v0  }
0xbc: {  	[tilespmem:s15+$0xA480] =	vst v17;
	v12 =	vld.idx.msk [tilespmem:v12+s8+$0x0], $0xffff;
	v17 =	vadd.s32 $0x1800, v4  }
0xbd: {  	v13 =	vld.idx.msk [tilespmem:v13+s8+$0x0], $0xffff;
	[tilespmem:s16+$0xE600] =	vst v8;
	v8 =	vadd.s32 $0x6400, v2  }
0xbe: {  	[tilespmem:s13+$0xA700] =	vst v14;
	v9 =	vld.idx.msk [tilespmem:v9+s8+$0x0], $0xffff;
	v14 =	vadd.s32 $0x2C00, v3  }
0xbf: {  	v15 =	vld.idx.msk [tilespmem:v15+s8+$0x0], $0xffff;
	[tilespmem:s12+$0xC580] =	vst v10;
	v10 =	vadd.s32 $0x7800, v7  }
0xc0: {  	[tilespmem:s17+$0x8680] =	vst v16;
	v16 =	vadd.s32 $0x4000, v1;
	v11 =	vld.idx.msk [tilespmem:v11+s8+$0x0], $0xffff  }
0xc1: {  	v17 =	vld.idx.msk [tilespmem:v17+s8+$0x0], $0xffff;
	[tilespmem:s14+$0xE400] =	vst v12;
	v12 =	vadd.s32 $0x5400, v0  }
0xc2: {  	[tilespmem:s15+$0xA500] =	vst v13;
	v8 =	vld.idx.msk [tilespmem:v8+s8+$0x0], $0xffff;
	v13 =	vadd.s32 $0x1C00, v4  }
0xc3: {  	v14 =	vld.idx.msk [tilespmem:v14+s8+$0x0], $0xffff;
	[tilespmem:s16+$0xE680] =	vst v9;
	v9 =	vadd.s32 $0x6800, v2  }
0xc4: {  	[tilespmem:s13+$0xA780] =	vst v15;
	v10 =	vld.idx.msk [tilespmem:v10+s8+$0x0], $0xffff;
	v15 =	vadd.s32 $0x3000, v3  }
0xc5: {  	v7 =	vadd.s32 $0x7C00, v7;
	v16 =	vld.idx.msk [tilespmem:v16+s8+$0x0], $0xffff;
	[tilespmem:s12+$0xC600] =	vst v11  }
0xc6: {  	v11 =	vadd.s32 $0x4400, v1;
	[tilespmem:s17+$0x8700] =	vst v17;
	v12 =	vld.idx.msk [tilespmem:v12+s8+$0x0], $0xffff  }
0xc7: {  	v17 =	vadd.s32 $0xC00, v5;
	v13 =	vld.idx.msk [tilespmem:v13+s8+$0x0], $0xffff;
	[tilespmem:s14+$0xE480] =	vst v8  }
0xc8: {  	v8 =	vadd.s32 $0x5800, v0;
	[tilespmem:s15+$0xA580] =	vst v14;
	v19 =	vld.idx.msk [tilespmem:v9+s8+$0x0], $0xffff  }
0xc9: {  	v20 =	vadd.s32 $0x2000, v4;
	v21 =	vld.idx.msk [tilespmem:v15+s8+$0x0], $0xffff;
	[tilespmem:s16+$0xE700] =	vst v10  }
0xca: {  	v22 =	vadd.s32 $0x6C00, v2;
	[tilespmem:s13+$0xC400] =	vst v16;
	v14 =	vld.idx.msk [tilespmem:v7+s8+$0x0], $0xffff  }
0xcb: {  	s22 =	sor.u32 s23, s22;
	[tilespmem:s18+$0x8500] =	vst v18;
	v16 =	vadd.s32 $0x3400, v3;
	v11 =	vld.idx.msk [tilespmem:v11+s8+$0x0], $0xffff  }
0xcc: {  	s22 =	sor.u32 $0x380, s22;
	v18 =	vld.idx.msk [tilespmem:v17+s8+$0x0], $0xffff;
	[tilespmem:s12+$0xC680] =	vst v12  }
0xcd: {  	v15 =	vadd.s32 $0x4800, v1;
	[tilespmem:s22+$0x8400] =	vst v13;
	v13 =	vld.idx.msk [tilespmem:v8+s8+$0x0], $0xffff  }
0xce: {  	s24 =	simm.s32 $0x70;
	v9 =	vadd.s32 $0x2400, v4;
	v17 =	vld.idx.msk [tilespmem:v20+s8+$0x0], $0xffff;
	[tilespmem:s14+$0xE500] =	vst v19;
	v19 =	vadd.s32 $0x1000, v5  }
0xcf: {  	s23 =	simm.s32 $0x300;
	s25 =	sand.u32 $0x70, s24;
	v10 =	vadd.s32 $0x5C00, v0;
	v7 =	vadd.s32 $0x2400, v5;
	v8 =	vadd.s32 $0x2400, v6;
	s22 =	simm.s32 $0x70;
	[tilespmem:s15+$0xA600] =	vst v21;
	v12 =	vld.idx.msk [tilespmem:v22+s8+$0x0], $0xffff  }
.LBB2_2:
0xd0: {  	s24 =	sadd.s32 $0x10, s24;
	s19 =	sadd.s32 $0x10, s19;
	v16 =	vld.idx.msk [tilespmem:v16+s8+$0x0], $0xffff;
	[tilespmem:s16+$0xE780] =	vst v14;
	s16 =	smov.u32 s14  }
0xd1: {  	s14 =	smov.u32 s12;
	s26 =	sand.u32 $0x70, s24;
	v14 =	vld [tilespmem:s19+$0x0];
	p0 =	slt.u32 s24, $0x3F0;
	[tilespmem:s13+$0xC480] =	vst v11;
	v11 =	vadd.s32 $0x7000, v2  }
0xd2: {  	s12 =	smov.u32 s13;
	s13 =	smov.u32 s15;
	s15 =	smov.u32 s17;
	[tilespmem:s18+$0x8580] =	vst v18;
	v18 =	vadd.s32 $0x3800, v3;
	v15 =	vld.idx.msk [tilespmem:v15+s8+$0x0], $0xffff  }
0xd3: {  	s17 =	smov.u32 s18;
	v19 =	vld.idx.msk [tilespmem:v19+s8+$0x0], $0xffff;
	[tilespmem:s14+$0xC700] =	vst v13  }
0xd4: {  	v13 =	vadd.s32 $0x4C00, v1;
	[tilespmem:s15+$0xA400] =	vst v17;
	v10 =	vld.idx.msk [tilespmem:v10+s8+$0x0], $0xffff  }
0xd5: {  	v17 =	vadd.s32 $0x1400, v5;
	v20 =	vld.idx.msk [tilespmem:v9+s8+$0x0], $0xffff;
	[tilespmem:s16+$0xE580] =	vst v12;
	v9 =	vmov v7;
	v7 =	vmov v8  }
0xd6: {  	v12 =	vadd.s32 $0x6000, v0;
	v8 =	vadd.s32 $0x2400, v14;
	[tilespmem:s13+$0xA680] =	vst v16;
	v11 =	vld.idx.msk [tilespmem:v11+s8+$0x0], $0xffff  }
0xd7: {  	v16 =	vadd.s32 $0x2800, v4;
	v18 =	vld.idx.msk [tilespmem:v18+s8+$0x0], $0xffff  }
0xd8: {  	v21 =	vld.idx.msk [tilespmem:v6+s8+$0x0], $0xffff;
	[tilespmem:s12+$0xC500] =	vst v15;
	v15 =	vadd.s32 $0x7400, v2  }
0xd9: {  	[tilespmem:s17+$0x8600] =	vst v19;
	v19 =	vadd.s32 $0x3C00, v3;
	v13 =	vld.idx.msk [tilespmem:v13+s8+$0x0], $0xffff  }
0xda: {  	v22 =	vadd.s32 $0x400, v6;
	v17 =	vld.idx.msk [tilespmem:v17+s8+$0x0], $0xffff;
	[tilespmem:s14+$0xC780] =	vst v10  }
0xdb: {  	s21 =	sadd.s32 $0x80, s21;
	v10 =	vadd.s32 $0x5000, v1;
	[tilespmem:s15+$0xA480] =	vst v20;
	v12 =	vld.idx.msk [tilespmem:v12+s8+$0x0], $0xffff  }
0xdc: {  	s18 =	sand.u32 $0x1C00, s21;
	v20 =	vadd.s32 $0x1800, v5;
	v16 =	vld.idx.msk [tilespmem:v16+s8+$0x0], $0xffff;
	[tilespmem:s16+$0xE600] =	vst v11  }
0xdd: {  	s18 =	sor.u32 s25, s18;
	s25 =	smov.u32 s26;
	v11 =	vadd.s32 $0x6400, v0;
	[tilespmem:s13+$0xA700] =	vst v18;
	v15 =	vld.idx.msk [tilespmem:v15+s8+$0x0], $0xffff  }
0xde: {  	v18 =	vadd.s32 $0x2C00, v4;
	[tilespmem:s18+$0x8400] =	vst v21;
	v19 =	vld.idx.msk [tilespmem:v19+s8+$0x0], $0xffff  }
0xdf: {  	v21 =	vld.idx.msk [tilespmem:v22+s8+$0x0], $0xffff;
	[tilespmem:s12+$0xC580] =	vst v13;
	v13 =	vadd.s32 $0x7800, v2  }
0xe0: {  	[tilespmem:s17+$0x8680] =	vst v17;
	v17 =	vadd.s32 $0x4000, v3;
	v10 =	vld.idx.msk [tilespmem:v10+s8+$0x0], $0xffff  }
0xe1: {  	v22 =	vadd.s32 $0x800, v6;
	v20 =	vld.idx.msk [tilespmem:v20+s8+$0x0], $0xffff;
	[tilespmem:s14+$0xE400] =	vst v12  }
0xe2: {  	v12 =	vadd.s32 $0x5400, v1;
	[tilespmem:s15+$0xA500] =	vst v16;
	v11 =	vld.idx.msk [tilespmem:v11+s8+$0x0], $0xffff  }
0xe3: {  	v16 =	vadd.s32 $0x1C00, v5;
	v18 =	vld.idx.msk [tilespmem:v18+s8+$0x0], $0xffff;
	[tilespmem:s16+$0xE680] =	vst v15  }
0xe4: {  	v15 =	vadd.s32 $0x6800, v0;
	[tilespmem:s13+$0xA780] =	vst v19;
	v13 =	vld.idx.msk [tilespmem:v13+s8+$0x0], $0xffff  }
0xe5: {  	v19 =	vadd.s32 $0x3000, v4;
	[tilespmem:s18+$0x8480] =	vst v21;
	v17 =	vld.idx.msk [tilespmem:v17+s8+$0x0], $0xffff  }
0xe6: {  	v21 =	vld.idx.msk [tilespmem:v22+s8+$0x0], $0xffff;
	[tilespmem:s12+$0xC600] =	vst v10;
	v10 =	vadd.s32 $0x7C00, v2;
	v2 =	vmovc v0;
	v0 =	vmovc v1;
	v1 =	vmov v3;
	v3 =	vmov v4  }
0xe7: {  	v4 =	vmovc v5;
	v5 =	vmov v6;
	v6 =	vmov v14;
	[tilespmem:s17+$0x8700] =	vst v20;
	v20 =	vadd.s32 $0x4400, v1;
	v12 =	vld.idx.msk [tilespmem:v12+s8+$0x0], $0xffff  }
0xe8: {  	v22 =	vadd.s32 $0xC00, v5;
	v23 =	vld.idx.msk [tilespmem:v16+s8+$0x0], $0xffff;
	[tilespmem:s14+$0xE480] =	vst v11  }
0xe9: {  	v24 =	vadd.s32 $0x5800, v0;
	[tilespmem:s15+$0xA580] =	vst v18;
	v25 =	vld.idx.msk [tilespmem:v15+s8+$0x0], $0xffff  }
0xea: {  	v26 =	vadd.s32 $0x2000, v4;
	v27 =	vld.idx.msk [tilespmem:v19+s8+$0x0], $0xffff;
	[tilespmem:s16+$0xE700] =	vst v13  }
0xeb: {  	v28 =	vadd.s32 $0x6C00, v2;
	[tilespmem:s13+$0xC400] =	vst v17;
	v14 =	vld.idx.msk [tilespmem:v10+s8+$0x0], $0xffff  }
.Ltmp0:
0xec: {  	s23 =	sor.u32 s23, s20;
	s20 =	smov.u32 s22;
	v16 =	vadd.s32 $0x3400, v3;
	[tilespmem:s18+$0x8500] =	vst v21;
	v11 =	vld.idx.msk [tilespmem:v20+s8+$0x0], $0xffff;
	(pc) =	sbr.rel @p0 .LBB2_2-.Ltmp0, $4  }
0xed: {  	s22 =	smov.u32 s24;
	s26 =	sor.u32 $0x380, s23;
	s23 =	smov.u32 s21;
	v18 =	vld.idx.msk [tilespmem:v22+s8+$0x0], $0xffff;
	[tilespmem:s12+$0xC680] =	vst v12  }
0xee: {  	v15 =	vadd.s32 $0x4800, v1;
	[tilespmem:s26+$0x8400] =	vst v23;
	v13 =	vld.idx.msk [tilespmem:v24+s8+$0x0], $0xffff  }
0xef: {  	v19 =	vadd.s32 $0x1000, v5;
	v17 =	vld.idx.msk [tilespmem:v26+s8+$0x0], $0xffff;
	[tilespmem:s14+$0xE500] =	vst v25  }
0xf0: {  	v10 =	vadd.s32 $0x5C00, v0;
	[tilespmem:s15+$0xA600] =	vst v27;
	v12 =	vld.idx.msk [tilespmem:v28+s8+$0x0], $0xffff  }
0xf1: {  	_ =	sdelay $0x3  }
0xf2: {  	v20 =	vld.idx.msk [tilespmem:v6+s8+$0x0], $0xffff  }
0xf3: {  	v21 =	vadd.s32 $0x400, v6  }
0xf4: {  	s21 =	sadd.s32 $0x80, s21  }
0xf5: {  	s19 =	sand.u32 $0x1C00, s21  }
0xf6: {  	s19 =	sor.u32 s25, s19  }
0xf7: {  	[tilespmem:s19+$0x8400] =	vst v20  }
0xf8: {  	v20 =	vld.idx.msk [tilespmem:v21+s8+$0x0], $0xffff  }
0xf9: {  	v54 =	vadd.s32 $0x800, v6;
	_ =	sdelay $0x3  }
0xfa: {  	[tilespmem:s19+$0x8480] =	vst v20  }
0xfb: {  	v20 =	vld.idx.msk [tilespmem:v54+s8+$0x0], $0xffff  }
0xfc: {  	v55 =	vadd.s32 $0xC00, v6;
	_ =	sdelay $0x3  }
0xfd: {  	[tilespmem:s19+$0x8500] =	vst v20  }
0xfe: {  	v20 =	vld.idx.msk [tilespmem:v55+s8+$0x0], $0xffff  }
0xff: {  	v56 =	vadd.s32 $0x1000, v6;
	_ =	sdelay $0x2  }
0x100: {  	[tilespmem:s18+$0x8580] =	vst v18  }
0x101: {  	v18 =	vld.idx.msk [tilespmem:v19+s8+$0x0], $0xffff;
	[tilespmem:s19+$0x8580] =	vst v20  }
0x102: {  	v57 =	vadd.s32 $0x1400, v5;
	v20 =	vld.idx.msk [tilespmem:v56+s8+$0x0], $0xffff  }
0x103: {  	v58 =	vadd.s32 $0x1400, v6;
	_ =	sdelay $0x2  }
0x104: {  	[tilespmem:s18+$0x8600] =	vst v18  }
0x105: {  	v18 =	vld.idx.msk [tilespmem:v57+s8+$0x0], $0xffff;
	[tilespmem:s19+$0x8600] =	vst v20  }
0x106: {  	v59 =	vadd.s32 $0x1800, v5;
	v20 =	vld.idx.msk [tilespmem:v58+s8+$0x0], $0xffff  }
0x107: {  	v60 =	vadd.s32 $0x1800, v6;
	_ =	sdelay $0x2  }
0x108: {  	[tilespmem:s18+$0x8680] =	vst v18  }
0x109: {  	v18 =	vld.idx.msk [tilespmem:v59+s8+$0x0], $0xffff;
	[tilespmem:s19+$0x8680] =	vst v20  }
0x10a: {  	v61 =	vadd.s32 $0x1C00, v5;
	v20 =	vld.idx.msk [tilespmem:v60+s8+$0x0], $0xffff  }
0x10b: {  	v62 =	vadd.s32 $0x1C00, v6;
	_ =	sdelay $0x2  }
0x10c: {  	[tilespmem:s18+$0x8700] =	vst v18  }
0x10d: {  	v18 =	vld.idx.msk [tilespmem:v61+s8+$0x0], $0xffff;
	[tilespmem:s19+$0x8700] =	vst v20  }
0x10e: {  	v63 =	vadd.s32 $0x2000, v5;
	v20 =	vld.idx.msk [tilespmem:v62+s8+$0x0], $0xffff  }
0x10f: {  	v24 =	vadd.s32 $0x2000, v6  }
0x110: {  	s20 =	sor.u32 s23, s20  }
0x111: {  	s20 =	sor.u32 $0x380, s20;
	s21 =	sor.u32 s21, s22  }
0x112: {  	s31 =	sor.u32 $0x380, s21;
	[tilespmem:s20+$0x8400] =	vst v18  }
0x113: {  	v18 =	vld.idx.msk [tilespmem:v63+s8+$0x0], $0xffff;
	[tilespmem:s31+$0x8400] =	vst v20  }
0x114: {  	v25 =	vld.idx.msk [tilespmem:v24+s8+$0x0], $0xffff;
	_ =	sdelay $0x2  }
0x115: {  	[tilespmem:s17+$0xA400] =	vst v17  }
0x116: {  	v9 =	vld.idx.msk [tilespmem:v9+s8+$0x0], $0xffff;
	[tilespmem:s18+$0xA400] =	vst v18  }
0x117: {  	v26 =	vadd.s32 $0x2800, v4;
	v7 =	vld.idx.msk [tilespmem:v7+s8+$0x0], $0xffff;
	[tilespmem:s19+$0xA400] =	vst v25  }
0x118: {  	v27 =	vadd.s32 $0x2800, v5;
	v8 =	vld.idx.msk [tilespmem:v8+s8+$0x0], $0xffff  }
0x119: {  	v28 =	vadd.s32 $0x2800, v6;
	_ =	sdelay $0x1  }
0x11a: {  	[tilespmem:s17+$0xA480] =	vst v9  }
0x11b: {  	v9 =	vld.idx.msk [tilespmem:v26+s8+$0x0], $0xffff;
	[tilespmem:s18+$0xA480] =	vst v7  }
0x11c: {  	v29 =	vadd.s32 $0x2C00, v4;
	v30 =	vld.idx.msk [tilespmem:v27+s8+$0x0], $0xffff;
	[tilespmem:s19+$0xA480] =	vst v8  }
0x11d: {  	v31 =	vadd.s32 $0x2C00, v5;
	v32 =	vld.idx.msk [tilespmem:v28+s8+$0x0], $0xffff  }
0x11e: {  	v33 =	vadd.s32 $0x2C00, v6;
	_ =	sdelay $0x1  }
0x11f: {  	[tilespmem:s17+$0xA500] =	vst v9  }
0x120: {  	v7 =	vld.idx.msk [tilespmem:v29+s8+$0x0], $0xffff;
	[tilespmem:s18+$0xA500] =	vst v30  }
0x121: {  	v34 =	vadd.s32 $0x3000, v4;
	v8 =	vld.idx.msk [tilespmem:v31+s8+$0x0], $0xffff;
	[tilespmem:s19+$0xA500] =	vst v32  }
0x122: {  	v35 =	vadd.s32 $0x3000, v5;
	v18 =	vld.idx.msk [tilespmem:v33+s8+$0x0], $0xffff  }
0x123: {  	v36 =	vadd.s32 $0x3000, v6;
	_ =	sdelay $0x1  }
0x124: {  	[tilespmem:s17+$0xA580] =	vst v7  }
0x125: {  	v7 =	vld.idx.msk [tilespmem:v34+s8+$0x0], $0xffff;
	[tilespmem:s18+$0xA580] =	vst v8  }
0x126: {  	v37 =	vadd.s32 $0x3400, v4;
	v38 =	vld.idx.msk [tilespmem:v35+s8+$0x0], $0xffff;
	[tilespmem:s19+$0xA580] =	vst v18  }
0x127: {  	v39 =	vadd.s32 $0x3400, v5;
	v18 =	vld.idx.msk [tilespmem:v36+s8+$0x0], $0xffff  }
0x128: {  	v40 =	vadd.s32 $0x3400, v6;
	_ =	sdelay $0x1  }
0x129: {  	v16 =	vld.idx.msk [tilespmem:v16+s8+$0x0], $0xffff;
	[tilespmem:s17+$0xA600] =	vst v7  }
0x12a: {  	v41 =	vadd.s32 $0x3800, v3;
	v8 =	vld.idx.msk [tilespmem:v37+s8+$0x0], $0xffff;
	[tilespmem:s18+$0xA600] =	vst v38  }
0x12b: {  	v42 =	vadd.s32 $0x3800, v4;
	v17 =	vld.idx.msk [tilespmem:v39+s8+$0x0], $0xffff;
	[tilespmem:s19+$0xA600] =	vst v18  }
0x12c: {  	v43 =	vadd.s32 $0x3800, v5;
	v19 =	vld.idx.msk [tilespmem:v40+s8+$0x0], $0xffff  }
0x12d: {  	v44 =	vadd.s32 $0x3800, v6  }
0x12e: {  	[tilespmem:s15+$0xA680] =	vst v16  }
0x12f: {  	v7 =	vld.idx.msk [tilespmem:v41+s8+$0x0], $0xffff;
	[tilespmem:s17+$0xA680] =	vst v8  }
0x130: {  	v45 =	vadd.s32 $0x3C00, v3;
	v9 =	vld.idx.msk [tilespmem:v42+s8+$0x0], $0xffff;
	[tilespmem:s18+$0xA680] =	vst v17  }
0x131: {  	v46 =	vadd.s32 $0x3C00, v4;
	v17 =	vld.idx.msk [tilespmem:v43+s8+$0x0], $0xffff;
	[tilespmem:s19+$0xA680] =	vst v19  }
0x132: {  	v47 =	vadd.s32 $0x3C00, v5;
	v19 =	vld.idx.msk [tilespmem:v44+s8+$0x0], $0xffff  }
0x133: {  	v48 =	vadd.s32 $0x3C00, v6  }
0x134: {  	[tilespmem:s15+$0xA700] =	vst v7  }
0x135: {  	v7 =	vld.idx.msk [tilespmem:v45+s8+$0x0], $0xffff;
	[tilespmem:s17+$0xA700] =	vst v9  }
0x136: {  	v49 =	vadd.s32 $0x4000, v3;
	v9 =	vld.idx.msk [tilespmem:v46+s8+$0x0], $0xffff;
	[tilespmem:s18+$0xA700] =	vst v17  }
0x137: {  	v50 =	vadd.s32 $0x4000, v4;
	v17 =	vld.idx.msk [tilespmem:v47+s8+$0x0], $0xffff;
	[tilespmem:s19+$0xA700] =	vst v19  }
0x138: {  	v51 =	vadd.s32 $0x4000, v5;
	v19 =	vld.idx.msk [tilespmem:v48+s8+$0x0], $0xffff  }
0x139: {  	v52 =	vadd.s32 $0x4000, v6  }
0x13a: {  	[tilespmem:s15+$0xA780] =	vst v7  }
0x13b: {  	v7 =	vld.idx.msk [tilespmem:v49+s8+$0x0], $0xffff;
	[tilespmem:s17+$0xA780] =	vst v9  }
0x13c: {  	v53 =	vadd.s32 $0x4400, v3;
	v9 =	vld.idx.msk [tilespmem:v50+s8+$0x0], $0xffff;
	[tilespmem:s18+$0xA780] =	vst v17  }
0x13d: {  	v54 =	vadd.s32 $0x4400, v4;
	v17 =	vld.idx.msk [tilespmem:v51+s8+$0x0], $0xffff;
	[tilespmem:s19+$0xA780] =	vst v19  }
0x13e: {  	v55 =	vadd.s32 $0x4400, v5;
	v19 =	vld.idx.msk [tilespmem:v52+s8+$0x0], $0xffff  }
0x13f: {  	[tilespmem:s16+$0xE780] =	vst v14;
	v56 =	vadd.s32 $0x4400, v6  }
0x140: {  	[tilespmem:s15+$0xC400] =	vst v7  }
0x141: {  	v7 =	vld.idx.msk [tilespmem:v53+s8+$0x0], $0xffff;
	[tilespmem:s17+$0xC400] =	vst v9  }
0x142: {  	v57 =	vadd.s32 $0x4800, v3;
	v9 =	vld.idx.msk [tilespmem:v54+s8+$0x0], $0xffff;
	[tilespmem:s18+$0xC400] =	vst v17  }
0x143: {  	v58 =	vadd.s32 $0x4800, v4;
	v17 =	vld.idx.msk [tilespmem:v55+s8+$0x0], $0xffff;
	[tilespmem:s19+$0xC400] =	vst v19  }
0x144: {  	[tilespmem:s13+$0xC480] =	vst v11;
	v59 =	vadd.s32 $0x4800, v5;
	v14 =	vld.idx.msk [tilespmem:v56+s8+$0x0], $0xffff  }
0x145: {  	[tilespmem:s12+$0xC700] =	vst v13;
	v60 =	vadd.s32 $0x4800, v6  }
0x146: {  	v15 =	vld.idx.msk [tilespmem:v15+s8+$0x0], $0xffff;
	[tilespmem:s15+$0xC480] =	vst v7  }
0x147: {  	v61 =	vadd.s32 $0x4C00, v1;
	v8 =	vld.idx.msk [tilespmem:v57+s8+$0x0], $0xffff;
	[tilespmem:s17+$0xC480] =	vst v9  }
0x148: {  	v62 =	vadd.s32 $0x4C00, v3;
	v16 =	vld.idx.msk [tilespmem:v58+s8+$0x0], $0xffff;
	[tilespmem:s18+$0xC480] =	vst v17  }
0x149: {  	v63 =	vadd.s32 $0x4C00, v4;
	v11 =	vld.idx.msk [tilespmem:v59+s8+$0x0], $0xffff;
	[tilespmem:s19+$0xC480] =	vst v14  }
0x14a: {  	[tilespmem:s14+$0xE580] =	vst v12;
	v20 =	vadd.s32 $0x4C00, v5;
	v13 =	vld.idx.msk [tilespmem:v60+s8+$0x0], $0xffff  }
0x14b: {  	v10 =	vld.idx.msk [tilespmem:v10+s8+$0x0], $0xffff;
	[tilespmem:s13+$0xC500] =	vst v15;
	v21 =	vadd.s32 $0x4C00, v6  }
0x14c: {  	v22 =	vadd.s32 $0x7000, v2;
	v7 =	vld.idx.msk [tilespmem:v61+s8+$0x0], $0xffff;
	[tilespmem:s15+$0xC500] =	vst v8  }
0x14d: {  	v23 =	vadd.s32 $0x5000, v1;
	v9 =	vld.idx.msk [tilespmem:v62+s8+$0x0], $0xffff;
	[tilespmem:s17+$0xC500] =	vst v16  }
0x14e: {  	v24 =	vadd.s32 $0x5000, v3;
	v17 =	vld.idx.msk [tilespmem:v63+s8+$0x0], $0xffff;
	[tilespmem:s18+$0xC500] =	vst v11  }
0x14f: {  	v25 =	vadd.s32 $0x5000, v4;
	v12 =	vld.idx.msk [tilespmem:v20+s8+$0x0], $0xffff;
	[tilespmem:s19+$0xC500] =	vst v13  }
0x150: {  	[tilespmem:s12+$0xC780] =	vst v10;
	v26 =	vadd.s32 $0x5000, v5;
	v13 =	vld.idx.msk [tilespmem:v21+s8+$0x0], $0xffff  }
0x151: {  	v27 =	vld.idx.msk [tilespmem:v22+s8+$0x0], $0xffff;
	v28 =	vadd.s32 $0x5000, v6;
	[tilespmem:s13+$0xC580] =	vst v7  }
0x152: {  	v29 =	vadd.s32 $0x6000, v0;
	v8 =	vld.idx.msk [tilespmem:v23+s8+$0x0], $0xffff;
	[tilespmem:s15+$0xC580] =	vst v9  }
0x153: {  	v30 =	vadd.s32 $0x5400, v1;
	v16 =	vld.idx.msk [tilespmem:v24+s8+$0x0], $0xffff;
	[tilespmem:s17+$0xC580] =	vst v17  }
0x154: {  	v31 =	vadd.s32 $0x5400, v3;
	v11 =	vld.idx.msk [tilespmem:v25+s8+$0x0], $0xffff;
	[tilespmem:s18+$0xC580] =	vst v12  }
0x155: {  	v32 =	vadd.s32 $0x5400, v4;
	v10 =	vld.idx.msk [tilespmem:v26+s8+$0x0], $0xffff;
	[tilespmem:s19+$0xC580] =	vst v13  }
0x156: {  	[tilespmem:s14+$0xE600] =	vst v27;
	v33 =	vadd.s32 $0x5400, v5;
	v7 =	vld.idx.msk [tilespmem:v28+s8+$0x0], $0xffff  }
0x157: {  	v34 =	vld.idx.msk [tilespmem:v29+s8+$0x0], $0xffff;
	v35 =	vadd.s32 $0x5400, v6;
	[tilespmem:s13+$0xC600] =	vst v8  }
0x158: {  	v36 =	vadd.s32 $0x7400, v2;
	v9 =	vld.idx.msk [tilespmem:v30+s8+$0x0], $0xffff;
	[tilespmem:s15+$0xC600] =	vst v16  }
0x159: {  	v37 =	vadd.s32 $0x5800, v1;
	v17 =	vld.idx.msk [tilespmem:v31+s8+$0x0], $0xffff;
	[tilespmem:s17+$0xC600] =	vst v11  }
0x15a: {  	v38 =	vadd.s32 $0x5800, v3;
	v12 =	vld.idx.msk [tilespmem:v32+s8+$0x0], $0xffff;
	[tilespmem:s18+$0xC600] =	vst v10  }
0x15b: {  	v39 =	vadd.s32 $0x5800, v4;
	v13 =	vld.idx.msk [tilespmem:v33+s8+$0x0], $0xffff;
	[tilespmem:s19+$0xC600] =	vst v7  }
0x15c: {  	[tilespmem:s12+$0xE400] =	vst v34;
	v40 =	vadd.s32 $0x5800, v5;
	v8 =	vld.idx.msk [tilespmem:v35+s8+$0x0], $0xffff  }
0x15d: {  	v42 =	vadd.s32 $0x5800, v6;
	v41 =	vld.idx.msk [tilespmem:v36+s8+$0x0], $0xffff;
	[tilespmem:s13+$0xC680] =	vst v9  }
0x15e: {  	v43 =	vadd.s32 $0x6400, v0;
	v16 =	vld.idx.msk [tilespmem:v37+s8+$0x0], $0xffff;
	[tilespmem:s15+$0xC680] =	vst v17  }
0x15f: {  	v44 =	vadd.s32 $0x5C00, v1;
	v11 =	vld.idx.msk [tilespmem:v38+s8+$0x0], $0xffff;
	[tilespmem:s17+$0xC680] =	vst v12  }
0x160: {  	v45 =	vadd.s32 $0x5C00, v3;
	v10 =	vld.idx.msk [tilespmem:v39+s8+$0x0], $0xffff;
	[tilespmem:s18+$0xC680] =	vst v13  }
0x161: {  	v46 =	vadd.s32 $0x5C00, v4;
	v7 =	vld.idx.msk [tilespmem:v40+s8+$0x0], $0xffff;
	[tilespmem:s19+$0xC680] =	vst v8  }
0x162: {  	[tilespmem:s14+$0xE680] =	vst v41;
	v47 =	vadd.s32 $0x5C00, v5;
	v9 =	vld.idx.msk [tilespmem:v42+s8+$0x0], $0xffff  }
0x163: {  	v49 =	vadd.s32 $0x5C00, v6;
	v48 =	vld.idx.msk [tilespmem:v43+s8+$0x0], $0xffff;
	[tilespmem:s13+$0xC700] =	vst v16  }
0x164: {  	v50 =	vadd.s32 $0x7800, v2;
	v17 =	vld.idx.msk [tilespmem:v44+s8+$0x0], $0xffff;
	[tilespmem:s15+$0xC700] =	vst v11  }
0x165: {  	v51 =	vadd.s32 $0x6000, v1;
	v12 =	vld.idx.msk [tilespmem:v45+s8+$0x0], $0xffff;
	[tilespmem:s17+$0xC700] =	vst v10  }
0x166: {  	v52 =	vadd.s32 $0x6000, v3;
	v13 =	vld.idx.msk [tilespmem:v46+s8+$0x0], $0xffff;
	[tilespmem:s18+$0xC700] =	vst v7  }
0x167: {  	v53 =	vadd.s32 $0x6000, v4;
	v8 =	vld.idx.msk [tilespmem:v47+s8+$0x0], $0xffff;
	[tilespmem:s19+$0xC700] =	vst v9  }
0x168: {  	v54 =	vadd.s32 $0x6000, v5;
	[tilespmem:s12+$0xE480] =	vst v48;
	v55 =	vld.idx.msk [tilespmem:v49+s8+$0x0], $0xffff  }
0x169: {  	v57 =	vadd.s32 $0x6000, v6;
	v56 =	vld.idx.msk [tilespmem:v50+s8+$0x0], $0xffff;
	[tilespmem:s13+$0xC780] =	vst v17  }
0x16a: {  	v58 =	vadd.s32 $0x6800, v0;
	v11 =	vld.idx.msk [tilespmem:v51+s8+$0x0], $0xffff;
	[tilespmem:s15+$0xC780] =	vst v12  }
0x16b: {  	v59 =	vadd.s32 $0x6400, v1;
	v10 =	vld.idx.msk [tilespmem:v52+s8+$0x0], $0xffff;
	[tilespmem:s17+$0xC780] =	vst v13  }
0x16c: {  	v60 =	vadd.s32 $0x6400, v3;
	v7 =	vld.idx.msk [tilespmem:v53+s8+$0x0], $0xffff;
	[tilespmem:s18+$0xC780] =	vst v8  }
0x16d: {  	v61 =	vadd.s32 $0x6400, v4;
	v9 =	vld.idx.msk [tilespmem:v54+s8+$0x0], $0xffff;
	[tilespmem:s19+$0xC780] =	vst v55  }
0x16e: {  	v62 =	vadd.s32 $0x6400, v5;
	[tilespmem:s14+$0xE700] =	vst v56;
	v63 =	vld.idx.msk [tilespmem:v57+s8+$0x0], $0xffff  }
0x16f: {  	v20 =	vld.idx.msk [tilespmem:v58+s8+$0x0], $0xffff;
	v21 =	vadd.s32 $0x6400, v6;
	[tilespmem:s13+$0xE400] =	vst v11  }
0x170: {  	v22 =	vadd.s32 $0x7C00, v2;
	v12 =	vld.idx.msk [tilespmem:v59+s8+$0x0], $0xffff;
	[tilespmem:s15+$0xE400] =	vst v10  }
0x171: {  	v23 =	vadd.s32 $0x6800, v1;
	v13 =	vld.idx.msk [tilespmem:v60+s8+$0x0], $0xffff;
	[tilespmem:s17+$0xE400] =	vst v7  }
0x172: {  	v24 =	vadd.s32 $0x6800, v3;
	v8 =	vld.idx.msk [tilespmem:v61+s8+$0x0], $0xffff;
	[tilespmem:s18+$0xE400] =	vst v9  }
0x173: {  	v25 =	vadd.s32 $0x6800, v4;
	v14 =	vld.idx.msk [tilespmem:v62+s8+$0x0], $0xffff;
	[tilespmem:s19+$0xE400] =	vst v63  }
0x174: {  	[tilespmem:s12+$0xE500] =	vst v20;
	v26 =	vadd.s32 $0x6800, v5;
	v11 =	vld.idx.msk [tilespmem:v21+s8+$0x0], $0xffff  }
0x175: {  	v27 =	vadd.s32 $0x6800, v6;
	v2 =	vld.idx.msk [tilespmem:v22+s8+$0x0], $0xffff;
	[tilespmem:s13+$0xE480] =	vst v12  }
0x176: {  	v28 =	vadd.s32 $0x6C00, v0;
	v10 =	vld.idx.msk [tilespmem:v23+s8+$0x0], $0xffff;
	[tilespmem:s15+$0xE480] =	vst v13  }
0x177: {  	v29 =	vadd.s32 $0x6C00, v1;
	v7 =	vld.idx.msk [tilespmem:v24+s8+$0x0], $0xffff;
	[tilespmem:s17+$0xE480] =	vst v8  }
0x178: {  	v30 =	vadd.s32 $0x6C00, v3;
	v9 =	vld.idx.msk [tilespmem:v25+s8+$0x0], $0xffff;
	[tilespmem:s18+$0xE480] =	vst v14  }
0x179: {  	v31 =	vadd.s32 $0x6C00, v4;
	v15 =	vld.idx.msk [tilespmem:v26+s8+$0x0], $0xffff;
	[tilespmem:s19+$0xE480] =	vst v11  }
0x17a: {  	v32 =	vadd.s32 $0x6C00, v5;
	[tilespmem:s14+$0xE780] =	vst v2;
	v11 =	vld.idx.msk [tilespmem:v27+s8+$0x0], $0xffff  }
0x17b: {  	v34 =	vadd.s32 $0x6C00, v6;
	v33 =	vld.idx.msk [tilespmem:v28+s8+$0x0], $0xffff;
	[tilespmem:s13+$0xE500] =	vst v10  }
0x17c: {  	v35 =	vadd.s32 $0x7000, v0;
	v13 =	vld.idx.msk [tilespmem:v29+s8+$0x0], $0xffff;
	[tilespmem:s15+$0xE500] =	vst v7  }
0x17d: {  	v36 =	vadd.s32 $0x7000, v1;
	v8 =	vld.idx.msk [tilespmem:v30+s8+$0x0], $0xffff;
	[tilespmem:s17+$0xE500] =	vst v9  }
0x17e: {  	v37 =	vadd.s32 $0x7000, v3;
	v14 =	vld.idx.msk [tilespmem:v31+s8+$0x0], $0xffff;
	[tilespmem:s18+$0xE500] =	vst v15  }
0x17f: {  	v38 =	vadd.s32 $0x7000, v4;
	v2 =	vld.idx.msk [tilespmem:v32+s8+$0x0], $0xffff;
	[tilespmem:s19+$0xE500] =	vst v11  }
0x180: {  	v39 =	vadd.s32 $0x7000, v5;
	[tilespmem:s12+$0xE580] =	vst v33;
	v10 =	vld.idx.msk [tilespmem:v34+s8+$0x0], $0xffff  }
0x181: {  	v40 =	vadd.s32 $0x7000, v6;
	v12 =	vld.idx.msk [tilespmem:v35+s8+$0x0], $0xffff;
	[tilespmem:s13+$0xE580] =	vst v13  }
0x182: {  	v41 =	vadd.s32 $0x7400, v0;
	v7 =	vld.idx.msk [tilespmem:v36+s8+$0x0], $0xffff;
	[tilespmem:s15+$0xE580] =	vst v8  }
0x183: {  	v42 =	vadd.s32 $0x7400, v1;
	v9 =	vld.idx.msk [tilespmem:v37+s8+$0x0], $0xffff;
	[tilespmem:s17+$0xE580] =	vst v14  }
0x184: {  	v43 =	vadd.s32 $0x7400, v3;
	v15 =	vld.idx.msk [tilespmem:v38+s8+$0x0], $0xffff;
	[tilespmem:s18+$0xE580] =	vst v2  }
0x185: {  	v44 =	vadd.s32 $0x7400, v4;
	v11 =	vld.idx.msk [tilespmem:v39+s8+$0x0], $0xffff;
	[tilespmem:s19+$0xE580] =	vst v10  }
0x186: {  	v45 =	vadd.s32 $0x7400, v5;
	[tilespmem:s12+$0xE600] =	vst v12;
	v46 =	vld.idx.msk [tilespmem:v40+s8+$0x0], $0xffff  }
0x187: {  	v48 =	vadd.s32 $0x7400, v6;
	v47 =	vld.idx.msk [tilespmem:v41+s8+$0x0], $0xffff;
	[tilespmem:s13+$0xE600] =	vst v7  }
0x188: {  	v49 =	vadd.s32 $0x7800, v0;
	v8 =	vld.idx.msk [tilespmem:v42+s8+$0x0], $0xffff;
	[tilespmem:s15+$0xE600] =	vst v9  }
0x189: {  	v50 =	vadd.s32 $0x7800, v1;
	v14 =	vld.idx.msk [tilespmem:v43+s8+$0x0], $0xffff;
	[tilespmem:s17+$0xE600] =	vst v15  }
0x18a: {  	v51 =	vadd.s32 $0x7800, v3;
	v2 =	vld.idx.msk [tilespmem:v44+s8+$0x0], $0xffff;
	[tilespmem:s18+$0xE600] =	vst v11  }
0x18b: {  	v52 =	vadd.s32 $0x7800, v4;
	v10 =	vld.idx.msk [tilespmem:v45+s8+$0x0], $0xffff;
	[tilespmem:s19+$0xE600] =	vst v46  }
0x18c: {  	v53 =	vadd.s32 $0x7800, v5;
	[tilespmem:s12+$0xE680] =	vst v47;
	v7 =	vld.idx.msk [tilespmem:v48+s8+$0x0], $0xffff  }
0x18d: {  	v54 =	vadd.s32 $0x7800, v6;
	v13 =	vld.idx.msk [tilespmem:v49+s8+$0x0], $0xffff;
	[tilespmem:s13+$0xE680] =	vst v8  }
0x18e: {  	v55 =	vadd.s32 $0x7C00, v0;
	v9 =	vld.idx.msk [tilespmem:v50+s8+$0x0], $0xffff;
	[tilespmem:s15+$0xE680] =	vst v14  }
0x18f: {  	v56 =	vadd.s32 $0x7C00, v1;
	v14 =	vld.idx.msk [tilespmem:v51+s8+$0x0], $0xffff;
	[tilespmem:s17+$0xE680] =	vst v2  }
0x190: {  	v57 =	vadd.s32 $0x7C00, v3;
	v58 =	vld.idx.msk [tilespmem:v52+s8+$0x0], $0xffff;
	[tilespmem:s18+$0xE680] =	vst v10  }
0x191: {  	v59 =	vadd.s32 $0x7C00, v4;
	v10 =	vld.idx.msk [tilespmem:v53+s8+$0x0], $0xffff;
	[tilespmem:s19+$0xE680] =	vst v7  }
0x192: {  	v60 =	vadd.s32 $0x7C00, v5;
	[tilespmem:s12+$0xE700] =	vst v13;
	v7 =	vld.idx.msk [tilespmem:v54+s8+$0x0], $0xffff  }
0x193: {  	v61 =	vadd.s32 $0x7C00, v6;
	v0 =	vld.idx.msk [tilespmem:v55+s8+$0x0], $0xffff;
	[tilespmem:s13+$0xE700] =	vst v9  }
0x194: {  	v1 =	vld.idx.msk [tilespmem:v56+s8+$0x0], $0xffff;
	[tilespmem:s15+$0xE700] =	vst v14  }
0x195: {  	v2 =	vld.idx.msk [tilespmem:v57+s8+$0x0], $0xffff;
	[tilespmem:s17+$0xE700] =	vst v58  }
0x196: {  	v3 =	vld.idx.msk [tilespmem:v59+s8+$0x0], $0xffff;
	[tilespmem:s18+$0xE700] =	vst v10  }
0x197: {  	v62 =	vld.idx.msk [tilespmem:v60+s8+$0x0], $0xffff;
	[tilespmem:s19+$0xE700] =	vst v7  }
0x198: {  	[tilespmem:s12+$0xE780] =	vst v0;
	v63 =	vld.idx.msk [tilespmem:v61+s8+$0x0], $0xffff  }
0x199: {  	[tilespmem:s13+$0xE780] =	vst v1  }
0x19a: {  	[tilespmem:s15+$0xE780] =	vst v2  }
0x19b: {  	s11 =	sadd.s32 $0x1, s11;
	[tilespmem:s17+$0xE780] =	vst v3  }
0x19c: {  	p0 =	sne.s32 s11, s7;
	[tilespmem:s18+$0xE780] =	vst v62  }
.Ltmp1:
0x19d: {  	[tilespmem:s19+$0xE780] =	vst v63;
	(pc) =	sbr.rel @p0 .LBB2_1-.Ltmp1, $4  }
0x19e: {  	[hbm4b:s6+s2] =	stream.linear.scatter [tilespmem:s10], [sflag:$0x1], $0x8000, $0x38;
	[tilespmem:$0x10400] =	vst v63  }
0x19f: {  	_ =	swait.ge [sflag:s3], $0x8000  }
0x1a0: {  	[sflag:s3] =	ssyncset.done $0x0  }
0x1a1: {  	[sflag:s3] =	ssyncadd.s32 $0xFFFF8000  }
0x1a2: {  	_ =	sfence.sel $0x180000  }
0x1a3: {  	[bflag:$0x0] =	sbarrier.arrive $0xFFFF  }
0x1a4: {  	p0 =	sne.s32 s0, $0x0;
	_ =	strace $0x90000047  }
0x1a5: {  	s0 =	sadd.s32 @!p0 $0x100000, s1;
	[bflag:$0x2] =	sbarrier.arrive $0xFFFF  }
0x1a6: {  	[sflag:s0] =	ssyncadd.tile.s32 @!p0 $0x1;
	_ =	shalt  }
.Lfunc_end2:
_tile_overlayer_lowered:
.L_overlay_start_2:
0x1a7: {  	(tag) =	ssettag $0x2  }
0x1a8: {  	s0 =	rddreg [dreg:$0x0];
	s2 =	stileid.u32  }
0x1a9: {  	s1 =	rddreg [dreg:$0x1];
	p0 =	sne.s32 s2, $0x0  }
0x1aa: {  	s3 =	rddreg [dreg:$0x2];
	[bflag:$0x3] =	sbarrier.arrive $0xFFFF;
	s2 =	simm.s32 @!p0 $0x1C01  }
0x1ab: {  	[timem:s3], [sflag:s2] =	dma.local @!p0 [hbm:s0], s1  }
0x1ac: {  	s0 =	simm.s32 @!p0 $0x1  }
0x1ad: {  	_ =	swait.ge @!p0 [sflag:s0], s1  }
0x1ae: {  	s1 =	ssub.s32 @!p0 $0x0, s1;
	[sflag:s0] =	ssyncset.done @!p0 $0x0  }
0x1af: {  	[sflag:s0] =	ssyncadd.s32 @!p0 s1  }
0x1b0: {  	[bflag:$0x3] =	sbarrier.arrive $0xFFFF  }
0x1b1: {  	_ =	shalt  }

</sc_bundles>
